<compile_context>
chip_gen: v7x
topology: tpu7x:2x2x1
jax: 0.10.2.dev20260603
libtpu: 0.0.44.dev20260713+nightly
codegen_flags: <defaults>
</compile_context>

<pallas_src>
import functools

import jax
import jax.numpy as jnp
from jax import lax
from jax.experimental import pallas as pl
from jax.experimental.pallas import tpu as pltpu
from jax.experimental.pallas import tpu_sc as plsc

NUM_CORES = 2
NUM_SUBCORES = 16
NUM_TILES = NUM_CORES * NUM_SUBCORES
EDGE_CHUNK = 80


def _sc_mesh():
    return plsc.VectorSubcoreMesh(
        core_axis_name="c", subcore_axis_name="s",
        num_cores=NUM_CORES, num_subcores=NUM_SUBCORES)


def _row_partition(n_nodes):
    main = (n_nodes // (NUM_SUBCORES * 8)) * 8
    tail = n_nodes - NUM_SUBCORES * main
    return main, tail


def _subcore_row_copy(src_at, dst_at, s, n_nodes):
    main, tail = _row_partition(n_nodes)
    pltpu.sync_copy(src_at(s * main, main), dst_at(s * main, main))
    if tail:
        @pl.when(s == NUM_SUBCORES - 1)
        def _tail():
            pltpu.sync_copy(src_at(NUM_SUBCORES * main, tail),
                            dst_at(NUM_SUBCORES * main, tail))


def _make_degree_kernel(n_nodes, n_edges):
    epw = n_edges // NUM_TILES
    nchunk = epw // EDGE_CHUNK

    @functools.partial(
        pl.kernel,
        out_type=jax.ShapeDtypeStruct((NUM_CORES, n_nodes, 16), jnp.float32),
        mesh=_sc_mesh(),
        scratch_types=[
            pltpu.VMEM((EDGE_CHUNK,), jnp.int32),
            pltpu.VMEM((EDGE_CHUNK, 16), jnp.float32),
            pltpu.VMEM_SHARED((n_nodes, 16), jnp.float32),
        ],
    )
    def deg_kernel(dst_hbm, zeros_hbm, ones_hbm, out_hbm, didx, ones_v, acc):
        c = lax.axis_index("c")
        s = lax.axis_index("s")
        w = c * NUM_SUBCORES + s
        _subcore_row_copy(lambda o, m: zeros_hbm.at[pl.ds(o, m)],
                          lambda o, m: acc.at[pl.ds(o, m)], s, n_nodes)
        pltpu.sync_copy(ones_hbm, ones_v)
        plsc.subcore_barrier()

        def body(j, carry):
            pltpu.sync_copy(dst_hbm.at[w, j], didx)
            pltpu.sync_copy(ones_v, acc.at[didx], add=True)
            return carry

        lax.fori_loop(0, nchunk, body, 0)
        plsc.subcore_barrier()
        _subcore_row_copy(lambda o, m: acc.at[pl.ds(o, m)],
                          lambda o, m: out_hbm.at[c, pl.ds(o, m)], s, n_nodes)

    return deg_kernel


NBUF = 3


def _make_agg_kernel(n_nodes, n_edges, hdim):
    epw = n_edges // NUM_TILES
    nchunk = epw // EDGE_CHUNK

    @functools.partial(
        pl.kernel,
        out_type=jax.ShapeDtypeStruct((NUM_CORES, n_nodes, hdim), jnp.float32),
        mesh=_sc_mesh(),
        scratch_types=[
            pltpu.VMEM((nchunk, EDGE_CHUNK), jnp.int32),
        ] + [pltpu.VMEM((EDGE_CHUNK,), jnp.int32)] * NBUF + [
            pltpu.VMEM((NBUF, EDGE_CHUNK, hdim), jnp.float32),
            pltpu.VMEM_SHARED((n_nodes, hdim), jnp.float32),
        ] + [pltpu.SemaphoreType.DMA] * (2 * NBUF),
    )
    def agg_kernel(hs_hbm, src_hbm, dst_hbm, out_hbm, sidx, *rest):
        didxs = rest[:NBUF]
        bufs = rest[NBUF]
        acc = rest[NBUF + 1]
        sems = rest[NBUF + 2:]
        gsems = sems[:NBUF]
        dsems = sems[NBUF:]
        c = lax.axis_index("c")
        s = lax.axis_index("s")
        w = c * NUM_SUBCORES + s
        pltpu.sync_copy(src_hbm.at[w], sidx)
        _subcore_row_copy(lambda o, m: hs_hbm.at[pl.ds(o, m)],
                          lambda o, m: acc.at[pl.ds(o, m)], s, n_nodes)
        plsc.subcore_barrier()

        def fire(chunk, b):
            pltpu.async_copy(dst_hbm.at[w, chunk], didxs[b], dsems[b])
            pltpu.async_copy(hs_hbm.at[sidx.at[chunk]], bufs.at[b], gsems[b])

        def drain(b):
            pltpu.make_async_copy(dst_hbm.at[0, 0], didxs[b], dsems[b]).wait()
            pltpu.make_async_copy(hs_hbm.at[sidx.at[0]], bufs.at[b],
                                  gsems[b]).wait()

        for b in range(NBUF):
            fire(b, b)

        def body(j, carry):
            b = lax.rem(j, NBUF)
            for bb in range(NBUF):
                @pl.when(b == bb)
                def _do():
                    drain(bb)
                    pltpu.sync_copy(bufs.at[bb], acc.at[didxs[bb]], add=True)

                    @pl.when(j < nchunk - NBUF)
                    def _refill():
                        fire(j + NBUF, bb)
            return carry

        lax.fori_loop(0, nchunk, body, 0)
        plsc.subcore_barrier()
        _subcore_row_copy(lambda o, m: acc.at[pl.ds(o, m)],
                          lambda o, m: out_hbm.at[c, pl.ds(o, m)], s, n_nodes)

    return agg_kernel



ROW_BLK = 1000


def _tc1_body(dp_ref, x_ref, w1_ref, dis_ref, h1s_ref):
    deg = dp_ref[0] + dp_ref[1] + 1.0
    dis = lax.rsqrt(deg)
    dis_ref[...] = dis
    h = jnp.dot(x_ref[...], w1_ref[...], preferred_element_type=jnp.float32)
    h1s_ref[...] = h * dis[:, :1]


def _tc2_body(p_ref, h1s_ref, dis_ref, b1_ref, w2_ref, h2s_ref):
    dis = dis_ref[...][:, :1]
    agg = p_ref[0] + p_ref[1] - h1s_ref[...]
    a1 = jnp.maximum(agg * dis + b1_ref[...], 0.0)
    h2 = jnp.dot(a1, w2_ref[...], preferred_element_type=jnp.float32)
    h2s_ref[...] = h2 * dis


def _tc3_body(q_ref, h2s_ref, dis_ref, b2_ref, batch_ref, wout_ref, bout_ref,
              out_ref, sums, cnts, *, nblk, n_graphs):
    i = pl.program_id(0)

    @pl.when(i == 0)
    def _init():
        sums[...] = jnp.zeros_like(sums)
        cnts[...] = jnp.zeros_like(cnts)

    dis = dis_ref[...][:, :1]
    agg = q_ref[0] + q_ref[1] - h2s_ref[...]
    a2 = jnp.maximum(agg * dis + b2_ref[...], 0.0)

    seg = batch_ref[0, 0, :]
    iota = lax.broadcasted_iota(jnp.int32, (a2.shape[0], n_graphs), 1)
    onehot = (seg[:, None] == iota).astype(jnp.float32)
    dims = (((0,), (0,)), ((), ()))
    sums[...] += lax.dot_general(onehot, a2, dims,
                                 preferred_element_type=jnp.float32)
    cnts[...] += lax.dot_general(onehot, jnp.ones_like(a2), dims,
                                 preferred_element_type=jnp.float32)

    @pl.when(i == nblk - 1)
    def _fin():
        g = sums[...] / jnp.maximum(cnts[...], 1.0)
        logits = (jnp.dot(g, wout_ref[...], preferred_element_type=jnp.float32)
                  + bout_ref[...])
        m = jnp.max(logits, axis=1, keepdims=True)
        z = logits - m
        lse = jnp.log(jnp.sum(jnp.exp(z), axis=1, keepdims=True))
        out_ref[...] = z - lse


def kernel(x, edge_index, batch, W1, b1, W2, b2, Wout, bout):
    n, f_in = x.shape
    h = W1.shape[1]
    g_graphs = 64
    c_out = Wout.shape[1]
    e = edge_index.shape[1]
    nchunk = e // (NUM_TILES * EDGE_CHUNK)
    src3 = edge_index[0].reshape(NUM_TILES, nchunk, EDGE_CHUNK)
    dst3 = edge_index[1].reshape(NUM_TILES, nchunk, EDGE_CHUNK)

    nblk = n // ROW_BLK

    deg_kernel = _make_degree_kernel(n, e)
    zeros16 = jnp.zeros((n, 16), jnp.float32)
    ones16 = jnp.ones((EDGE_CHUNK, 16), jnp.float32)
    degp = deg_kernel(dst3, zeros16, ones16)

    dis, h1s = pl.pallas_call(
        _tc1_body,
        grid=(nblk,),
        in_specs=[
            pl.BlockSpec((NUM_CORES, ROW_BLK, 16), lambda i: (0, i, 0)),
            pl.BlockSpec((ROW_BLK, f_in), lambda i: (i, 0)),
            pl.BlockSpec((f_in, h), lambda i: (0, 0)),
        ],
        out_specs=[
            pl.BlockSpec((ROW_BLK, 16), lambda i: (i, 0)),
            pl.BlockSpec((ROW_BLK, h), lambda i: (i, 0)),
        ],
        out_shape=[
            jax.ShapeDtypeStruct((n, 16), jnp.float32),
            jax.ShapeDtypeStruct((n, h), jnp.float32),
        ],
    )(degp, x, W1)

    agg_kernel = _make_agg_kernel(n, e, h)
    p = agg_kernel(h1s, src3, dst3)

    h2s = pl.pallas_call(
        _tc2_body,
        grid=(nblk,),
        in_specs=[
            pl.BlockSpec((NUM_CORES, ROW_BLK, h), lambda i: (0, i, 0)),
            pl.BlockSpec((ROW_BLK, h), lambda i: (i, 0)),
            pl.BlockSpec((ROW_BLK, 16), lambda i: (i, 0)),
            pl.BlockSpec((1, h), lambda i: (0, 0)),
            pl.BlockSpec((h, h), lambda i: (0, 0)),
        ],
        out_specs=pl.BlockSpec((ROW_BLK, h), lambda i: (i, 0)),
        out_shape=jax.ShapeDtypeStruct((n, h), jnp.float32),
    )(p, h1s, dis, b1.reshape(1, h), W2)

    q = agg_kernel(h2s, src3, dst3)

    batch3d = batch.reshape(nblk, 1, ROW_BLK)
    out = pl.pallas_call(
        functools.partial(_tc3_body, nblk=nblk, n_graphs=g_graphs),
        grid=(nblk,),
        in_specs=[
            pl.BlockSpec((NUM_CORES, ROW_BLK, h), lambda i: (0, i, 0)),
            pl.BlockSpec((ROW_BLK, h), lambda i: (i, 0)),
            pl.BlockSpec((ROW_BLK, 16), lambda i: (i, 0)),
            pl.BlockSpec((1, h), lambda i: (0, 0)),
            pl.BlockSpec((1, 1, ROW_BLK), lambda i: (i, 0, 0)),
            pl.BlockSpec((h, c_out), lambda i: (0, 0)),
            pl.BlockSpec((1, c_out), lambda i: (0, 0)),
        ],
        out_specs=pl.BlockSpec((g_graphs, c_out), lambda i: (0, 0)),
        out_shape=jax.ShapeDtypeStruct((g_graphs, c_out), jnp.float32),
        scratch_shapes=[
            pltpu.VMEM((g_graphs, h), jnp.float32),
            pltpu.VMEM((g_graphs, h), jnp.float32),
        ],
    )(q, h2s, dis, b2.reshape(1, h), batch3d, Wout, bout.reshape(1, c_out))

    return out

# --- scband reference (transcript-rebuilt; emitter-appended) ---
"""Pipeline reference for scband-gcn-g-77988016161261 (READ-ONLY COPY).

The authoritative reference and input builder live on the scoring server;
editing this copy changes nothing except your own understanding.
"""

import jax, jax.numpy as jnp
import numpy as np

N = 10000
E = 320000
F_IN = 128
H = 128
C = 10
G = 64


def _gcn_conv(x, src, dst, W, b, num_nodes):
    # add self loops (GCNConv default: add_self_loops=True, normalize=True)
    loop = jnp.arange(num_nodes, dtype=src.dtype)
    src_f = jnp.concatenate([src, loop])
    dst_f = jnp.concatenate([dst, loop])
    ew = jnp.ones(src_f.shape[0], dtype=x.dtype)
    deg = jnp.zeros((num_nodes,), dtype=x.dtype).at[dst_f].add(ew)
    dis = jnp.where(deg > 0, jax.lax.rsqrt(deg), 0.0)
    norm = dis[src_f] * dis[dst_f]
    h = x @ W
    msg = h[src_f] * norm[:, None]
    out = jnp.zeros_like(h).at[dst_f].add(msg)
    return out + b


def _global_mean_pool(x, batch, num_graphs):
    sums = jax.ops.segment_sum(x, batch, num_segments=num_graphs)
    cnts = jax.ops.segment_sum(jnp.ones((x.shape[0],), dtype=x.dtype), batch, num_segments=num_graphs)
    return sums / jnp.clip(cnts, 1.0)[:, None]


def setup_inputs(seed: int = 0) -> dict:
    key = jax.random.key(seed)
    ks = jax.random.split(key, 10)
    x = jax.random.normal(ks[0], (N, F_IN), dtype=jnp.float32)
    edge_index = jax.random.randint(ks[1], (2, E), 0, N, dtype=jnp.int32)
    batch = jnp.sort(jax.random.randint(ks[2], (N,), 0, G, dtype=jnp.int32))
    W1 = jax.random.normal(ks[3], (F_IN, H), dtype=jnp.float32) * (1.0 / np.sqrt(F_IN))
    b1 = jnp.zeros((H,), dtype=jnp.float32)
    W2 = jax.random.normal(ks[4], (H, H), dtype=jnp.float32) * (1.0 / np.sqrt(H))
    b2 = jnp.zeros((H,), dtype=jnp.float32)
    Wout = jax.random.normal(ks[5], (H, C), dtype=jnp.float32) * (1.0 / np.sqrt(H))
    bout = jnp.zeros((C,), dtype=jnp.float32)
    return {"x": x, "edge_index": edge_index, "batch": batch,
            "W1": W1, "b1": b1, "W2": W2, "b2": b2, "Wout": Wout, "bout": bout}


def reference(x, edge_index, batch, W1, b1, W2, b2, Wout, bout):
    src, dst = edge_index[0], edge_index[1]
    # layer 1
    h = _gcn_conv(x, src, dst, W1, b1, N)
    h = jax.nn.relu(h)
    # dropout is identity in eval mode
    # layer 2
    h = _gcn_conv(h, src, dst, W2, b2, N)
    h = jax.nn.relu(h)
    # global mean pool + output head
    g = _global_mean_pool(h, batch, G)
    logits = g @ Wout + bout
    return jax.nn.log_softmax(logits, axis=1)

if __name__ == "__main__":
    import jax
    _d = setup_inputs()
    print(jax.jit(kernel)(*tuple(_d.values())))

</pallas_src>

<mosaic_0001>
#map = affine_map<(d0, d1) -> (0, 0, 0)>
#map1 = affine_map<(d0, d1) -> (0, 0)>
module attributes {stable_mosaic.version = 14 : i64} {
  func.func @deg_kernel(%arg0: i32, %arg1: i32, %arg2: memref<32x125x80xi32, #tpu.memory_space<hbm>>, %arg3: memref<10000x16xf32, #tpu.memory_space<hbm>>, %arg4: memref<80x16xf32, #tpu.memory_space<hbm>>, %arg5: memref<2x10000x16xf32, #tpu.memory_space<hbm>>, %arg6: memref<80xi32, #tpu.memory_space<vmem>>, %arg7: memref<80x16xf32, #tpu.memory_space<vmem>>, %arg8: memref<10000x16xf32, #tpu.memory_space<vmem_shared>>) attributes {dimension_semantics = [#tpu.dimension_semantics<core_parallel>, #tpu.dimension_semantics<subcore_parallel>], iteration_bounds = array<i64: 2, 16>, scalar_prefetch = 0 : i64, scratch_operands = 3 : i64, tpu.core_type = #tpu.core_type<sc_vector_subcore>, window_params = [{transform_indices = #map}, {transform_indices = #map1}, {transform_indices = #map1}, {transform_indices = #map}]} {
    %mul3A = arith.constant 16 : i32
    %mul3A_0 = arith.muli %arg0, %mul3A : i32
    %add3A = arith.addi %mul3A_0, %arg1 : i32
    %mul3A_1 = arith.constant 624 : i32
    %mul3A_2 = arith.muli %arg1, %mul3A_1 : i32
    %mul3A_3 = arith.constant 624 : i32
    %mul3A_4 = arith.muli %arg1, %mul3A_3 : i32
    "tpu.region"() ({
      %run_scoped3A = tpu.sem_alloc : memref<!tpu.dma_semaphore, #tpu.memory_space<semaphore_mem>>
      %dma_start3A = arith.constant 0 : i32
      %dma_start3A_22 = tpu.memref_slice %arg8[%mul3A_4, %dma_start3A] : memref<10000x16xf32, #tpu.memory_space<vmem_shared>> -> memref<624x16xf32, #tpu.memory_space<vmem_shared>>
      %dma_start3A_23 = arith.constant 0 : i32
      %dma_start3A_24 = tpu.memref_slice %arg3[%mul3A_2, %dma_start3A_23] : memref<10000x16xf32, #tpu.memory_space<hbm>> -> memref<624x16xf32, #tpu.memory_space<hbm>>
      tpu.enqueue_dma source(%dma_start3A_24 : memref<624x16xf32, #tpu.memory_space<hbm>>) target(%dma_start3A_22 : memref<624x16xf32, #tpu.memory_space<vmem_shared>>) target_semaphore(%run_scoped3A : memref<!tpu.dma_semaphore, #tpu.memory_space<semaphore_mem>>)
      %dma_wait3A = arith.constant 0 : i32
      %dma_wait3A_25 = tpu.memref_slice %arg8[%mul3A_4, %dma_wait3A] : memref<10000x16xf32, #tpu.memory_space<vmem_shared>> -> memref<624x16xf32, #tpu.memory_space<vmem_shared>>
      %dma_wait3A_26 = arith.constant 0 : i32
      %dma_wait3A_27 = tpu.memref_slice %arg3[%mul3A_2, %dma_wait3A_26] : memref<10000x16xf32, #tpu.memory_space<hbm>> -> memref<624x16xf32, #tpu.memory_space<hbm>>
      tpu.wait_dma2 semaphore(%run_scoped3A : memref<!tpu.dma_semaphore, #tpu.memory_space<semaphore_mem>>) src(%dma_wait3A_27 : memref<624x16xf32, #tpu.memory_space<hbm>>) dst(%dma_wait3A_25 : memref<624x16xf32, #tpu.memory_space<vmem_shared>>)
      tpu.yield
    }) : () -> ()
    %eq3A = arith.constant 15 : i32
    %eq3A_5 = arith.cmpi eq, %arg1, %eq3A : i32
    %convert_element_type3A = arith.extui %eq3A_5 : i1 to i32
    %cond3A = arith.constant 0 : i32
    %cond3A_6 = arith.cmpi ne, %convert_element_type3A, %cond3A : i32
    scf.if %cond3A_6 {
      "tpu.region"() ({
        %run_scoped3A = tpu.sem_alloc : memref<!tpu.dma_semaphore, #tpu.memory_space<semaphore_mem>>
        %dma_start3A = arith.constant 9984 : i32
        %dma_start3A_22 = arith.constant 0 : i32
        %dma_start3A_23 = tpu.memref_slice %arg8[%dma_start3A, %dma_start3A_22] : memref<10000x16xf32, #tpu.memory_space<vmem_shared>> -> memref<16x16xf32, #tpu.memory_space<vmem_shared>>
        %dma_start3A_24 = arith.constant 9984 : i32
        %dma_start3A_25 = arith.constant 0 : i32
        %dma_start3A_26 = tpu.memref_slice %arg3[%dma_start3A_24, %dma_start3A_25] : memref<10000x16xf32, #tpu.memory_space<hbm>> -> memref<16x16xf32, #tpu.memory_space<hbm>>
        tpu.enqueue_dma source(%dma_start3A_26 : memref<16x16xf32, #tpu.memory_space<hbm>>) target(%dma_start3A_23 : memref<16x16xf32, #tpu.memory_space<vmem_shared>>) target_semaphore(%run_scoped3A : memref<!tpu.dma_semaphore, #tpu.memory_space<semaphore_mem>>)
        %dma_wait3A = arith.constant 9984 : i32
        %dma_wait3A_27 = arith.constant 0 : i32
        %dma_wait3A_28 = tpu.memref_slice %arg8[%dma_wait3A, %dma_wait3A_27] : memref<10000x16xf32, #tpu.memory_space<vmem_shared>> -> memref<16x16xf32, #tpu.memory_space<vmem_shared>>
        %dma_wait3A_29 = arith.constant 9984 : i32
        %dma_wait3A_30 = arith.constant 0 : i32
        %dma_wait3A_31 = tpu.memref_slice %arg3[%dma_wait3A_29, %dma_wait3A_30] : memref<10000x16xf32, #tpu.memory_space<hbm>> -> memref<16x16xf32, #tpu.memory_space<hbm>>
        tpu.wait_dma2 semaphore(%run_scoped3A : memref<!tpu.dma_semaphore, #tpu.memory_space<semaphore_mem>>) src(%dma_wait3A_31 : memref<16x16xf32, #tpu.memory_space<hbm>>) dst(%dma_wait3A_28 : memref<16x16xf32, #tpu.memory_space<vmem_shared>>)
        tpu.yield
      }) : () -> ()
    } else {
    }
    "tpu.region"() ({
      %run_scoped3A = tpu.sem_alloc : memref<!tpu.dma_semaphore, #tpu.memory_space<semaphore_mem>>
      tpu.enqueue_dma source(%arg4 : memref<80x16xf32, #tpu.memory_space<hbm>>) target(%arg7 : memref<80x16xf32, #tpu.memory_space<vmem>>) target_semaphore(%run_scoped3A : memref<!tpu.dma_semaphore, #tpu.memory_space<semaphore_mem>>)
      tpu.wait_dma2 semaphore(%run_scoped3A : memref<!tpu.dma_semaphore, #tpu.memory_space<semaphore_mem>>) src(%arg4 : memref<80x16xf32, #tpu.memory_space<hbm>>) dst(%arg7 : memref<80x16xf32, #tpu.memory_space<vmem>>)
      tpu.yield
    }) : () -> ()
    %barrier3A = arith.constant 0 : index
    tpu.barrier barrier_id(%barrier3A)
    %scan3A = arith.constant 0 : i32
    %scan3A_7 = arith.constant 0 : i32
    %scan3A_8 = arith.constant 125 : i32
    %scan3A_9 = arith.addi %scan3A_7, %scan3A_8 : i32
    %scan3A_10 = arith.constant 1 : i32
    scf.for %scan3A_22 = %scan3A_7 to %scan3A_9 step %scan3A_10  : i32 {
      "tpu.region"() ({
        %run_scoped3A = tpu.sem_alloc : memref<!tpu.dma_semaphore, #tpu.memory_space<semaphore_mem>>
        %dma_start3A = arith.constant 0 : i32
        %dma_start3A_23 = tpu.memref_slice %arg2[%add3A, %scan3A_22, %dma_start3A] : memref<32x125x80xi32, #tpu.memory_space<hbm>> -> memref<1x1x80xi32, #tpu.memory_space<hbm>>
        %dma_start3A_24 = tpu.memref_squeeze %dma_start3A_23 : memref<1x1x80xi32, #tpu.memory_space<hbm>> -> memref<80xi32, #tpu.memory_space<hbm>>
        %dma_start3A_25 = arith.constant 0 : i32
        %dma_start3A_26 = tpu.memref_slice %arg2[%add3A, %scan3A_22, %dma_start3A_25] : memref<32x125x80xi32, #tpu.memory_space<hbm>> -> memref<1x1x80xi32, #tpu.memory_space<hbm>>
        %dma_start3A_27 = tpu.memref_squeeze %dma_start3A_26 : memref<1x1x80xi32, #tpu.memory_space<hbm>> -> memref<80xi32, #tpu.memory_space<hbm>>
        tpu.enqueue_dma source(%dma_start3A_27 : memref<80xi32, #tpu.memory_space<hbm>>) target(%arg6 : memref<80xi32, #tpu.memory_space<vmem>>) target_semaphore(%run_scoped3A : memref<!tpu.dma_semaphore, #tpu.memory_space<semaphore_mem>>)
        %dma_wait3A = arith.constant 0 : i32
        %dma_wait3A_28 = tpu.memref_slice %arg2[%add3A, %scan3A_22, %dma_wait3A] : memref<32x125x80xi32, #tpu.memory_space<hbm>> -> memref<1x1x80xi32, #tpu.memory_space<hbm>>
        %dma_wait3A_29 = tpu.memref_squeeze %dma_wait3A_28 : memref<1x1x80xi32, #tpu.memory_space<hbm>> -> memref<80xi32, #tpu.memory_space<hbm>>
        %dma_wait3A_30 = arith.constant 0 : i32
        %dma_wait3A_31 = tpu.memref_slice %arg2[%add3A, %scan3A_22, %dma_wait3A_30] : memref<32x125x80xi32, #tpu.memory_space<hbm>> -> memref<1x1x80xi32, #tpu.memory_space<hbm>>
        %dma_wait3A_32 = tpu.memref_squeeze %dma_wait3A_31 : memref<1x1x80xi32, #tpu.memory_space<hbm>> -> memref<80xi32, #tpu.memory_space<hbm>>
        tpu.wait_dma2 semaphore(%run_scoped3A : memref<!tpu.dma_semaphore, #tpu.memory_space<semaphore_mem>>) src(%dma_wait3A_32 : memref<80xi32, #tpu.memory_space<hbm>>) dst(%arg6 : memref<80xi32, #tpu.memory_space<vmem>>)
        tpu.yield
      }) : () -> ()
      "tpu.region"() ({
        %run_scoped3A = tpu.sem_alloc : memref<!tpu.dma_semaphore, #tpu.memory_space<semaphore_mem>>
        %dma_start3A = arith.constant 0 : i32
        %dma_start3A_23 = arith.constant 0 : i32
        %dma_start3A_24 = tpu.memref_slice %arg8[%dma_start3A, %dma_start3A_23] : memref<10000x16xf32, #tpu.memory_space<vmem_shared>> -> memref<10000x16xf32, #tpu.memory_space<vmem_shared>>
        tpu.enqueue_indirect_dma source(%arg7 : memref<80x16xf32, #tpu.memory_space<vmem>>) target(%dma_start3A_24 : memref<10000x16xf32, #tpu.memory_space<vmem_shared>>) offsets(%arg6 : memref<80xi32, #tpu.memory_space<vmem>>) semaphore(%run_scoped3A : memref<!tpu.dma_semaphore, #tpu.memory_space<semaphore_mem>>) {add = true}
        %dma_wait3A = arith.constant 0 : i32
        %dma_wait3A_25 = arith.constant 0 : i32
        %dma_wait3A_26 = tpu.memref_slice %arg8[%dma_wait3A, %dma_wait3A_25] : memref<10000x16xf32, #tpu.memory_space<vmem_shared>> -> memref<10000x16xf32, #tpu.memory_space<vmem_shared>>
        tpu.wait_indirect_dma semaphore(%run_scoped3A : memref<!tpu.dma_semaphore, #tpu.memory_space<semaphore_mem>>) src(%arg7 : memref<80x16xf32, #tpu.memory_space<vmem>>) dst(%dma_wait3A_26 : memref<10000x16xf32, #tpu.memory_space<vmem_shared>>)
        tpu.yield
      }) : () -> ()
    }
    %scan3A_11 = arith.constant 125 : i32
    %barrier3A_12 = arith.constant 0 : index
    tpu.barrier barrier_id(%barrier3A_12)
    %mul3A_13 = arith.constant 624 : i32
    %mul3A_14 = arith.muli %arg1, %mul3A_13 : i32
    %mul3A_15 = arith.constant 624 : i32
    %mul3A_16 = arith.muli %arg1, %mul3A_15 : i32
    "tpu.region"() ({
      %run_scoped3A = tpu.sem_alloc : memref<!tpu.dma_semaphore, #tpu.memory_space<semaphore_mem>>
      %dma_start3A = arith.constant 0 : i32
      %dma_start3A_22 = tpu.memref_slice %arg5[%arg0, %mul3A_16, %dma_start3A] : memref<2x10000x16xf32, #tpu.memory_space<hbm>> -> memref<1x624x16xf32, #tpu.memory_space<hbm>>
      %dma_start3A_23 = tpu.memref_squeeze %dma_start3A_22 : memref<1x624x16xf32, #tpu.memory_space<hbm>> -> memref<624x16xf32, #tpu.memory_space<hbm>>
      %dma_start3A_24 = arith.constant 0 : i32
      %dma_start3A_25 = tpu.memref_slice %arg8[%mul3A_14, %dma_start3A_24] : memref<10000x16xf32, #tpu.memory_space<vmem_shared>> -> memref<624x16xf32, #tpu.memory_space<vmem_shared>>
      tpu.enqueue_dma source(%dma_start3A_25 : memref<624x16xf32, #tpu.memory_space<vmem_shared>>) target(%dma_start3A_23 : memref<624x16xf32, #tpu.memory_space<hbm>>) target_semaphore(%run_scoped3A : memref<!tpu.dma_semaphore, #tpu.memory_space<semaphore_mem>>)
      %dma_wait3A = arith.constant 0 : i32
      %dma_wait3A_26 = tpu.memref_slice %arg5[%arg0, %mul3A_16, %dma_wait3A] : memref<2x10000x16xf32, #tpu.memory_space<hbm>> -> memref<1x624x16xf32, #tpu.memory_space<hbm>>
      %dma_wait3A_27 = tpu.memref_squeeze %dma_wait3A_26 : memref<1x624x16xf32, #tpu.memory_space<hbm>> -> memref<624x16xf32, #tpu.memory_space<hbm>>
      %dma_wait3A_28 = arith.constant 0 : i32
      %dma_wait3A_29 = tpu.memref_slice %arg8[%mul3A_14, %dma_wait3A_28] : memref<10000x16xf32, #tpu.memory_space<vmem_shared>> -> memref<624x16xf32, #tpu.memory_space<vmem_shared>>
      tpu.wait_dma2 semaphore(%run_scoped3A : memref<!tpu.dma_semaphore, #tpu.memory_space<semaphore_mem>>) src(%dma_wait3A_29 : memref<624x16xf32, #tpu.memory_space<vmem_shared>>) dst(%dma_wait3A_27 : memref<624x16xf32, #tpu.memory_space<hbm>>)
      tpu.yield
    }) : () -> ()
    %eq3A_17 = arith.constant 15 : i32
    %eq3A_18 = arith.cmpi eq, %arg1, %eq3A_17 : i32
    %convert_element_type3A_19 = arith.extui %eq3A_18 : i1 to i32
    %cond3A_20 = arith.constant 0 : i32
    %cond3A_21 = arith.cmpi ne, %convert_element_type3A_19, %cond3A_20 : i32
    scf.if %cond3A_21 {
      "tpu.region"() ({
        %run_scoped3A = tpu.sem_alloc : memref<!tpu.dma_semaphore, #tpu.memory_space<semaphore_mem>>
        %dma_start3A = arith.constant 9984 : i32
        %dma_start3A_22 = arith.constant 0 : i32
        %dma_start3A_23 = tpu.memref_slice %arg5[%arg0, %dma_start3A, %dma_start3A_22] : memref<2x10000x16xf32, #tpu.memory_space<hbm>> -> memref<1x16x16xf32, #tpu.memory_space<hbm>>
        %dma_start3A_24 = tpu.memref_squeeze %dma_start3A_23 : memref<1x16x16xf32, #tpu.memory_space<hbm>> -> memref<16x16xf32, #tpu.memory_space<hbm>>
        %dma_start3A_25 = arith.constant 9984 : i32
        %dma_start3A_26 = arith.constant 0 : i32
        %dma_start3A_27 = tpu.memref_slice %arg8[%dma_start3A_25, %dma_start3A_26] : memref<10000x16xf32, #tpu.memory_space<vmem_shared>> -> memref<16x16xf32, #tpu.memory_space<vmem_shared>>
        tpu.enqueue_dma source(%dma_start3A_27 : memref<16x16xf32, #tpu.memory_space<vmem_shared>>) target(%dma_start3A_24 : memref<16x16xf32, #tpu.memory_space<hbm>>) target_semaphore(%run_scoped3A : memref<!tpu.dma_semaphore, #tpu.memory_space<semaphore_mem>>)
        %dma_wait3A = arith.constant 9984 : i32
        %dma_wait3A_28 = arith.constant 0 : i32
        %dma_wait3A_29 = tpu.memref_slice %arg5[%arg0, %dma_wait3A, %dma_wait3A_28] : memref<2x10000x16xf32, #tpu.memory_space<hbm>> -> memref<1x16x16xf32, #tpu.memory_space<hbm>>
        %dma_wait3A_30 = tpu.memref_squeeze %dma_wait3A_29 : memref<1x16x16xf32, #tpu.memory_space<hbm>> -> memref<16x16xf32, #tpu.memory_space<hbm>>
        %dma_wait3A_31 = arith.constant 9984 : i32
        %dma_wait3A_32 = arith.constant 0 : i32
        %dma_wait3A_33 = tpu.memref_slice %arg8[%dma_wait3A_31, %dma_wait3A_32] : memref<10000x16xf32, #tpu.memory_space<vmem_shared>> -> memref<16x16xf32, #tpu.memory_space<vmem_shared>>
        tpu.wait_dma2 semaphore(%run_scoped3A : memref<!tpu.dma_semaphore, #tpu.memory_space<semaphore_mem>>) src(%dma_wait3A_33 : memref<16x16xf32, #tpu.memory_space<vmem_shared>>) dst(%dma_wait3A_30 : memref<16x16xf32, #tpu.memory_space<hbm>>)
        tpu.yield
      }) : () -> ()
    } else {
    }
    return
  }
}

#map = affine_map<(d0, d1) -> (0, 0)>
#map1 = affine_map<(d0, d1) -> (0, 0, 0)>
module attributes {stable_mosaic.version = 14 : i64} {
  func.func @agg_kernel(%arg0: i32, %arg1: i32, %arg2: memref<10000x128xf32, #tpu.memory_space<hbm>>, %arg3: memref<32x125x80xi32, #tpu.memory_space<hbm>>, %arg4: memref<32x125x80xi32, #tpu.memory_space<hbm>>, %arg5: memref<2x10000x128xf32, #tpu.memory_space<hbm>>, %arg6: memref<125x80xi32, #tpu.memory_space<vmem>>, %arg7: memref<80xi32, #tpu.memory_space<vmem>>, %arg8: memref<80xi32, #tpu.memory_space<vmem>>, %arg9: memref<80xi32, #tpu.memory_space<vmem>>, %arg10: memref<3x80x128xf32, #tpu.memory_space<vmem>>, %arg11: memref<10000x128xf32, #tpu.memory_space<vmem_shared>>, %arg12: memref<!tpu.dma_semaphore, #tpu.memory_space<semaphore_mem>>, %arg13: memref<!tpu.dma_semaphore, #tpu.memory_space<semaphore_mem>>, %arg14: memref<!tpu.dma_semaphore, #tpu.memory_space<semaphore_mem>>, %arg15: memref<!tpu.dma_semaphore, #tpu.memory_space<semaphore_mem>>, %arg16: memref<!tpu.dma_semaphore, #tpu.memory_space<semaphore_mem>>, %arg17: memref<!tpu.dma_semaphore, #tpu.memory_space<semaphore_mem>>) attributes {dimension_semantics = [#tpu.dimension_semantics<core_parallel>, #tpu.dimension_semantics<subcore_parallel>], iteration_bounds = array<i64: 2, 16>, scalar_prefetch = 0 : i64, scratch_operands = 12 : i64, tpu.core_type = #tpu.core_type<sc_vector_subcore>, window_params = [{transform_indices = #map}, {transform_indices = #map1}, {transform_indices = #map1}, {transform_indices = #map1}]} {
    %mul3A = arith.constant 16 : i32
    %mul3A_0 = arith.muli %arg0, %mul3A : i32
    %add3A = arith.addi %mul3A_0, %arg1 : i32
    "tpu.region"() ({
      %run_scoped3A = tpu.sem_alloc : memref<!tpu.dma_semaphore, #tpu.memory_space<semaphore_mem>>
      %dma_start3A_78 = arith.constant 0 : i32
      %dma_start3A_79 = arith.constant 0 : i32
      %dma_start3A_80 = tpu.memref_slice %arg3[%add3A, %dma_start3A_78, %dma_start3A_79] : memref<32x125x80xi32, #tpu.memory_space<hbm>> -> memref<1x125x80xi32, #tpu.memory_space<hbm>>
      %dma_start3A_81 = tpu.memref_squeeze %dma_start3A_80 : memref<1x125x80xi32, #tpu.memory_space<hbm>> -> memref<125x80xi32, #tpu.memory_space<hbm>>
      %dma_start3A_82 = arith.constant 0 : i32
      %dma_start3A_83 = arith.constant 0 : i32
      %dma_start3A_84 = tpu.memref_slice %arg3[%add3A, %dma_start3A_82, %dma_start3A_83] : memref<32x125x80xi32, #tpu.memory_space<hbm>> -> memref<1x125x80xi32, #tpu.memory_space<hbm>>
      %dma_start3A_85 = tpu.memref_squeeze %dma_start3A_84 : memref<1x125x80xi32, #tpu.memory_space<hbm>> -> memref<125x80xi32, #tpu.memory_space<hbm>>
      tpu.enqueue_dma source(%dma_start3A_85 : memref<125x80xi32, #tpu.memory_space<hbm>>) target(%arg6 : memref<125x80xi32, #tpu.memory_space<vmem>>) target_semaphore(%run_scoped3A : memref<!tpu.dma_semaphore, #tpu.memory_space<semaphore_mem>>)
      %dma_wait3A = arith.constant 0 : i32
      %dma_wait3A_86 = arith.constant 0 : i32
      %dma_wait3A_87 = tpu.memref_slice %arg3[%add3A, %dma_wait3A, %dma_wait3A_86] : memref<32x125x80xi32, #tpu.memory_space<hbm>> -> memref<1x125x80xi32, #tpu.memory_space<hbm>>
      %dma_wait3A_88 = tpu.memref_squeeze %dma_wait3A_87 : memref<1x125x80xi32, #tpu.memory_space<hbm>> -> memref<125x80xi32, #tpu.memory_space<hbm>>
      %dma_wait3A_89 = arith.constant 0 : i32
      %dma_wait3A_90 = arith.constant 0 : i32
      %dma_wait3A_91 = tpu.memref_slice %arg3[%add3A, %dma_wait3A_89, %dma_wait3A_90] : memref<32x125x80xi32, #tpu.memory_space<hbm>> -> memref<1x125x80xi32, #tpu.memory_space<hbm>>
      %dma_wait3A_92 = tpu.memref_squeeze %dma_wait3A_91 : memref<1x125x80xi32, #tpu.memory_space<hbm>> -> memref<125x80xi32, #tpu.memory_space<hbm>>
      tpu.wait_dma2 semaphore(%run_scoped3A : memref<!tpu.dma_semaphore, #tpu.memory_space<semaphore_mem>>) src(%dma_wait3A_92 : memref<125x80xi32, #tpu.memory_space<hbm>>) dst(%arg6 : memref<125x80xi32, #tpu.memory_space<vmem>>)
      tpu.yield
    }) : () -> ()
    %mul3A_1 = arith.constant 624 : i32
    %mul3A_2 = arith.muli %arg1, %mul3A_1 : i32
    %mul3A_3 = arith.constant 624 : i32
    %mul3A_4 = arith.muli %arg1, %mul3A_3 : i32
    "tpu.region"() ({
      %run_scoped3A = tpu.sem_alloc : memref<!tpu.dma_semaphore, #tpu.memory_space<semaphore_mem>>
      %dma_start3A_78 = arith.constant 0 : i32
      %dma_start3A_79 = tpu.memref_slice %arg11[%mul3A_4, %dma_start3A_78] : memref<10000x128xf32, #tpu.memory_space<vmem_shared>> -> memref<624x128xf32, #tpu.memory_space<vmem_shared>>
      %dma_start3A_80 = arith.constant 0 : i32
      %dma_start3A_81 = tpu.memref_slice %arg2[%mul3A_2, %dma_start3A_80] : memref<10000x128xf32, #tpu.memory_space<hbm>> -> memref<624x128xf32, #tpu.memory_space<hbm>>
      tpu.enqueue_dma source(%dma_start3A_81 : memref<624x128xf32, #tpu.memory_space<hbm>>) target(%dma_start3A_79 : memref<624x128xf32, #tpu.memory_space<vmem_shared>>) target_semaphore(%run_scoped3A : memref<!tpu.dma_semaphore, #tpu.memory_space<semaphore_mem>>)
      %dma_wait3A = arith.constant 0 : i32
      %dma_wait3A_82 = tpu.memref_slice %arg11[%mul3A_4, %dma_wait3A] : memref<10000x128xf32, #tpu.memory_space<vmem_shared>> -> memref<624x128xf32, #tpu.memory_space<vmem_shared>>
      %dma_wait3A_83 = arith.constant 0 : i32
      %dma_wait3A_84 = tpu.memref_slice %arg2[%mul3A_2, %dma_wait3A_83] : memref<10000x128xf32, #tpu.memory_space<hbm>> -> memref<624x128xf32, #tpu.memory_space<hbm>>
      tpu.wait_dma2 semaphore(%run_scoped3A : memref<!tpu.dma_semaphore, #tpu.memory_space<semaphore_mem>>) src(%dma_wait3A_84 : memref<624x128xf32, #tpu.memory_space<hbm>>) dst(%dma_wait3A_82 : memref<624x128xf32, #tpu.memory_space<vmem_shared>>)
      tpu.yield
    }) : () -> ()
    %eq3A = arith.constant 15 : i32
    %eq3A_5 = arith.cmpi eq, %arg1, %eq3A : i32
    %convert_element_type3A = arith.extui %eq3A_5 : i1 to i32
    %cond3A = arith.constant 0 : i32
    %cond3A_6 = arith.cmpi ne, %convert_element_type3A, %cond3A : i32
    scf.if %cond3A_6 {
      "tpu.region"() ({
        %run_scoped3A = tpu.sem_alloc : memref<!tpu.dma_semaphore, #tpu.memory_space<semaphore_mem>>
        %dma_start3A_78 = arith.constant 9984 : i32
        %dma_start3A_79 = arith.constant 0 : i32
        %dma_start3A_80 = tpu.memref_slice %arg11[%dma_start3A_78, %dma_start3A_79] : memref<10000x128xf32, #tpu.memory_space<vmem_shared>> -> memref<16x128xf32, #tpu.memory_space<vmem_shared>>
        %dma_start3A_81 = arith.constant 9984 : i32
        %dma_start3A_82 = arith.constant 0 : i32
        %dma_start3A_83 = tpu.memref_slice %arg2[%dma_start3A_81, %dma_start3A_82] : memref<10000x128xf32, #tpu.memory_space<hbm>> -> memref<16x128xf32, #tpu.memory_space<hbm>>
        tpu.enqueue_dma source(%dma_start3A_83 : memref<16x128xf32, #tpu.memory_space<hbm>>) target(%dma_start3A_80 : memref<16x128xf32, #tpu.memory_space<vmem_shared>>) target_semaphore(%run_scoped3A : memref<!tpu.dma_semaphore, #tpu.memory_space<semaphore_mem>>)
        %dma_wait3A = arith.constant 9984 : i32
        %dma_wait3A_84 = arith.constant 0 : i32
        %dma_wait3A_85 = tpu.memref_slice %arg11[%dma_wait3A, %dma_wait3A_84] : memref<10000x128xf32, #tpu.memory_space<vmem_shared>> -> memref<16x128xf32, #tpu.memory_space<vmem_shared>>
        %dma_wait3A_86 = arith.constant 9984 : i32
        %dma_wait3A_87 = arith.constant 0 : i32
        %dma_wait3A_88 = tpu.memref_slice %arg2[%dma_wait3A_86, %dma_wait3A_87] : memref<10000x128xf32, #tpu.memory_space<hbm>> -> memref<16x128xf32, #tpu.memory_space<hbm>>
        tpu.wait_dma2 semaphore(%run_scoped3A : memref<!tpu.dma_semaphore, #tpu.memory_space<semaphore_mem>>) src(%dma_wait3A_88 : memref<16x128xf32, #tpu.memory_space<hbm>>) dst(%dma_wait3A_85 : memref<16x128xf32, #tpu.memory_space<vmem_shared>>)
        tpu.yield
      }) : () -> ()
    } else {
    }
    %barrier3A = arith.constant 0 : index
    tpu.barrier barrier_id(%barrier3A)
    %dma_start3A = arith.constant 0 : i32
    %dma_start3A_7 = arith.constant 0 : i32
    %dma_start3A_8 = tpu.memref_slice %arg4[%add3A, %dma_start3A, %dma_start3A_7] : memref<32x125x80xi32, #tpu.memory_space<hbm>> -> memref<1x1x80xi32, #tpu.memory_space<hbm>>
    %dma_start3A_9 = tpu.memref_squeeze %dma_start3A_8 : memref<1x1x80xi32, #tpu.memory_space<hbm>> -> memref<80xi32, #tpu.memory_space<hbm>>
    %dma_start3A_10 = arith.constant 0 : i32
    %dma_start3A_11 = tpu.memref_slice %arg4[%add3A, %dma_start3A, %dma_start3A_10] : memref<32x125x80xi32, #tpu.memory_space<hbm>> -> memref<1x1x80xi32, #tpu.memory_space<hbm>>
    %dma_start3A_12 = tpu.memref_squeeze %dma_start3A_11 : memref<1x1x80xi32, #tpu.memory_space<hbm>> -> memref<80xi32, #tpu.memory_space<hbm>>
    tpu.enqueue_dma source(%dma_start3A_12 : memref<80xi32, #tpu.memory_space<hbm>>) target(%arg7 : memref<80xi32, #tpu.memory_space<vmem>>) target_semaphore(%arg15 : memref<!tpu.dma_semaphore, #tpu.memory_space<semaphore_mem>>)
    %dma_start3A_13 = arith.constant 0 : i32
    %dma_start3A_14 = arith.constant 0 : i32
    %dma_start3A_15 = arith.constant 0 : i32
    %dma_start3A_16 = arith.constant 0 : i32
    %dma_start3A_17 = tpu.memref_slice %arg10[%dma_start3A_14, %dma_start3A_15, %dma_start3A_16] : memref<3x80x128xf32, #tpu.memory_space<vmem>> -> memref<1x80x128xf32, #tpu.memory_space<vmem>>
    %dma_start3A_18 = tpu.memref_squeeze %dma_start3A_17 : memref<1x80x128xf32, #tpu.memory_space<vmem>> -> memref<80x128xf32, #tpu.memory_space<vmem>>
    %dma_start3A_19 = arith.constant 0 : i32
    %dma_start3A_20 = tpu.memref_slice %arg6[%dma_start3A_13, %dma_start3A_19] : memref<125x80xi32, #tpu.memory_space<vmem>> -> memref<1x80xi32, #tpu.memory_space<vmem>>
    %dma_start3A_21 = tpu.memref_squeeze %dma_start3A_20 : memref<1x80xi32, #tpu.memory_space<vmem>> -> memref<80xi32, #tpu.memory_space<vmem>>
    %dma_start3A_22 = arith.constant 0 : i32
    %dma_start3A_23 = arith.constant 0 : i32
    %dma_start3A_24 = tpu.memref_slice %arg2[%dma_start3A_22, %dma_start3A_23] : memref<10000x128xf32, #tpu.memory_space<hbm>> -> memref<10000x128xf32, #tpu.memory_space<hbm>>
    tpu.enqueue_indirect_dma source(%dma_start3A_24 : memref<10000x128xf32, #tpu.memory_space<hbm>>) target(%dma_start3A_18 : memref<80x128xf32, #tpu.memory_space<vmem>>) offsets(%dma_start3A_21 : memref<80xi32, #tpu.memory_space<vmem>>) semaphore(%arg12 : memref<!tpu.dma_semaphore, #tpu.memory_space<semaphore_mem>>)
    %dma_start3A_25 = arith.constant 1 : i32
    %dma_start3A_26 = arith.constant 0 : i32
    %dma_start3A_27 = tpu.memref_slice %arg4[%add3A, %dma_start3A_25, %dma_start3A_26] : memref<32x125x80xi32, #tpu.memory_space<hbm>> -> memref<1x1x80xi32, #tpu.memory_space<hbm>>
    %dma_start3A_28 = tpu.memref_squeeze %dma_start3A_27 : memref<1x1x80xi32, #tpu.memory_space<hbm>> -> memref<80xi32, #tpu.memory_space<hbm>>
    %dma_start3A_29 = arith.constant 0 : i32
    %dma_start3A_30 = tpu.memref_slice %arg4[%add3A, %dma_start3A_25, %dma_start3A_29] : memref<32x125x80xi32, #tpu.memory_space<hbm>> -> memref<1x1x80xi32, #tpu.memory_space<hbm>>
    %dma_start3A_31 = tpu.memref_squeeze %dma_start3A_30 : memref<1x1x80xi32, #tpu.memory_space<hbm>> -> memref<80xi32, #tpu.memory_space<hbm>>
    tpu.enqueue_dma source(%dma_start3A_31 : memref<80xi32, #tpu.memory_space<hbm>>) target(%arg8 : memref<80xi32, #tpu.memory_space<vmem>>) target_semaphore(%arg16 : memref<!tpu.dma_semaphore, #tpu.memory_space<semaphore_mem>>)
    %dma_start3A_32 = arith.constant 1 : i32
    %dma_start3A_33 = arith.constant 1 : i32
    %dma_start3A_34 = arith.constant 0 : i32
    %dma_start3A_35 = arith.constant 0 : i32
    %dma_start3A_36 = tpu.memref_slice %arg10[%dma_start3A_33, %dma_start3A_34, %dma_start3A_35] : memref<3x80x128xf32, #tpu.memory_space<vmem>> -> memref<1x80x128xf32, #tpu.memory_space<vmem>>
    %dma_start3A_37 = tpu.memref_squeeze %dma_start3A_36 : memref<1x80x128xf32, #tpu.memory_space<vmem>> -> memref<80x128xf32, #tpu.memory_space<vmem>>
    %dma_start3A_38 = arith.constant 0 : i32
    %dma_start3A_39 = tpu.memref_slice %arg6[%dma_start3A_32, %dma_start3A_38] : memref<125x80xi32, #tpu.memory_space<vmem>> -> memref<1x80xi32, #tpu.memory_space<vmem>>
    %dma_start3A_40 = tpu.memref_squeeze %dma_start3A_39 : memref<1x80xi32, #tpu.memory_space<vmem>> -> memref<80xi32, #tpu.memory_space<vmem>>
    %dma_start3A_41 = arith.constant 0 : i32
    %dma_start3A_42 = arith.constant 0 : i32
    %dma_start3A_43 = tpu.memref_slice %arg2[%dma_start3A_41, %dma_start3A_42] : memref<10000x128xf32, #tpu.memory_space<hbm>> -> memref<10000x128xf32, #tpu.memory_space<hbm>>
    tpu.enqueue_indirect_dma source(%dma_start3A_43 : memref<10000x128xf32, #tpu.memory_space<hbm>>) target(%dma_start3A_37 : memref<80x128xf32, #tpu.memory_space<vmem>>) offsets(%dma_start3A_40 : memref<80xi32, #tpu.memory_space<vmem>>) semaphore(%arg13 : memref<!tpu.dma_semaphore, #tpu.memory_space<semaphore_mem>>)
    %dma_start3A_44 = arith.constant 2 : i32
    %dma_start3A_45 = arith.constant 0 : i32
    %dma_start3A_46 = tpu.memref_slice %arg4[%add3A, %dma_start3A_44, %dma_start3A_45] : memref<32x125x80xi32, #tpu.memory_space<hbm>> -> memref<1x1x80xi32, #tpu.memory_space<hbm>>
    %dma_start3A_47 = tpu.memref_squeeze %dma_start3A_46 : memref<1x1x80xi32, #tpu.memory_space<hbm>> -> memref<80xi32, #tpu.memory_space<hbm>>
    %dma_start3A_48 = arith.constant 0 : i32
    %dma_start3A_49 = tpu.memref_slice %arg4[%add3A, %dma_start3A_44, %dma_start3A_48] : memref<32x125x80xi32, #tpu.memory_space<hbm>> -> memref<1x1x80xi32, #tpu.memory_space<hbm>>
    %dma_start3A_50 = tpu.memref_squeeze %dma_start3A_49 : memref<1x1x80xi32, #tpu.memory_space<hbm>> -> memref<80xi32, #tpu.memory_space<hbm>>
    tpu.enqueue_dma source(%dma_start3A_50 : memref<80xi32, #tpu.memory_space<hbm>>) target(%arg9 : memref<80xi32, #tpu.memory_space<vmem>>) target_semaphore(%arg17 : memref<!tpu.dma_semaphore, #tpu.memory_space<semaphore_mem>>)
    %dma_start3A_51 = arith.constant 2 : i32
    %dma_start3A_52 = arith.constant 2 : i32
    %dma_start3A_53 = arith.constant 0 : i32
    %dma_start3A_54 = arith.constant 0 : i32
    %dma_start3A_55 = tpu.memref_slice %arg10[%dma_start3A_52, %dma_start3A_53, %dma_start3A_54] : memref<3x80x128xf32, #tpu.memory_space<vmem>> -> memref<1x80x128xf32, #tpu.memory_space<vmem>>
    %dma_start3A_56 = tpu.memref_squeeze %dma_start3A_55 : memref<1x80x128xf32, #tpu.memory_space<vmem>> -> memref<80x128xf32, #tpu.memory_space<vmem>>
    %dma_start3A_57 = arith.constant 0 : i32
    %dma_start3A_58 = tpu.memref_slice %arg6[%dma_start3A_51, %dma_start3A_57] : memref<125x80xi32, #tpu.memory_space<vmem>> -> memref<1x80xi32, #tpu.memory_space<vmem>>
    %dma_start3A_59 = tpu.memref_squeeze %dma_start3A_58 : memref<1x80xi32, #tpu.memory_space<vmem>> -> memref<80xi32, #tpu.memory_space<vmem>>
    %dma_start3A_60 = arith.constant 0 : i32
    %dma_start3A_61 = arith.constant 0 : i32
    %dma_start3A_62 = tpu.memref_slice %arg2[%dma_start3A_60, %dma_start3A_61] : memref<10000x128xf32, #tpu.memory_space<hbm>> -> memref<10000x128xf32, #tpu.memory_space<hbm>>
    tpu.enqueue_indirect_dma source(%dma_start3A_62 : memref<10000x128xf32, #tpu.memory_space<hbm>>) target(%dma_start3A_56 : memref<80x128xf32, #tpu.memory_space<vmem>>) offsets(%dma_start3A_59 : memref<80xi32, #tpu.memory_space<vmem>>) semaphore(%arg14 : memref<!tpu.dma_semaphore, #tpu.memory_space<semaphore_mem>>)
    %scan3A = arith.constant 0 : i32
    %scan3A_63 = arith.constant 0 : i32
    %scan3A_64 = arith.constant 125 : i32
    %scan3A_65 = arith.addi %scan3A_63, %scan3A_64 : i32
    %scan3A_66 = arith.constant 1 : i32
    scf.for %scan3A_78 = %scan3A_63 to %scan3A_65 step %scan3A_66  : i32 {
      %rem3A = arith.constant 3 : i32
      %rem3A_79 = arith.remsi %scan3A_78, %rem3A : i32
      %eq3A_80 = arith.constant 0 : i32
      %eq3A_81 = arith.cmpi eq, %rem3A_79, %eq3A_80 : i32
      %convert_element_type3A_82 = arith.extui %eq3A_81 : i1 to i32
      %cond3A_83 = arith.constant 0 : i32
      %cond3A_84 = arith.cmpi ne, %convert_element_type3A_82, %cond3A_83 : i32
      scf.if %cond3A_84 {
        %dma_wait3A = arith.constant 0 : i32
        %dma_wait3A_95 = arith.constant 0 : i32
        %dma_wait3A_96 = arith.constant 0 : i32
        %dma_wait3A_97 = tpu.memref_slice %arg4[%dma_wait3A, %dma_wait3A_95, %dma_wait3A_96] : memref<32x125x80xi32, #tpu.memory_space<hbm>> -> memref<1x1x80xi32, #tpu.memory_space<hbm>>
        %dma_wait3A_98 = tpu.memref_squeeze %dma_wait3A_97 : memref<1x1x80xi32, #tpu.memory_space<hbm>> -> memref<80xi32, #tpu.memory_space<hbm>>
        %dma_wait3A_99 = arith.constant 0 : i32
        %dma_wait3A_100 = tpu.memref_slice %arg4[%dma_wait3A, %dma_wait3A_95, %dma_wait3A_99] : memref<32x125x80xi32, #tpu.memory_space<hbm>> -> memref<1x1x80xi32, #tpu.memory_space<hbm>>
        %dma_wait3A_101 = tpu.memref_squeeze %dma_wait3A_100 : memref<1x1x80xi32, #tpu.memory_space<hbm>> -> memref<80xi32, #tpu.memory_space<hbm>>
        tpu.wait_dma2 semaphore(%arg15 : memref<!tpu.dma_semaphore, #tpu.memory_space<semaphore_mem>>) src(%dma_wait3A_101 : memref<80xi32, #tpu.memory_space<hbm>>) dst(%arg7 : memref<80xi32, #tpu.memory_space<vmem>>)
        %dma_wait3A_102 = arith.constant 0 : i32
        %dma_wait3A_103 = arith.constant 0 : i32
        %dma_wait3A_104 = arith.constant 0 : i32
        %dma_wait3A_105 = arith.constant 0 : i32
        %dma_wait3A_106 = tpu.memref_slice %arg10[%dma_wait3A_103, %dma_wait3A_104, %dma_wait3A_105] : memref<3x80x128xf32, #tpu.memory_space<vmem>> -> memref<1x80x128xf32, #tpu.memory_space<vmem>>
        %dma_wait3A_107 = tpu.memref_squeeze %dma_wait3A_106 : memref<1x80x128xf32, #tpu.memory_space<vmem>> -> memref<80x128xf32, #tpu.memory_space<vmem>>
        %dma_wait3A_108 = arith.constant 0 : i32
        %dma_wait3A_109 = tpu.memref_slice %arg6[%dma_wait3A_102, %dma_wait3A_108] : memref<125x80xi32, #tpu.memory_space<vmem>> -> memref<1x80xi32, #tpu.memory_space<vmem>>
        %dma_wait3A_110 = tpu.memref_squeeze %dma_wait3A_109 : memref<1x80xi32, #tpu.memory_space<vmem>> -> memref<80xi32, #tpu.memory_space<vmem>>
        %dma_wait3A_111 = arith.constant 0 : i32
        %dma_wait3A_112 = arith.constant 0 : i32
        %dma_wait3A_113 = tpu.memref_slice %arg2[%dma_wait3A_111, %dma_wait3A_112] : memref<10000x128xf32, #tpu.memory_space<hbm>> -> memref<10000x128xf32, #tpu.memory_space<hbm>>
        tpu.wait_indirect_dma semaphore(%arg12 : memref<!tpu.dma_semaphore, #tpu.memory_space<semaphore_mem>>) src(%dma_wait3A_113 : memref<10000x128xf32, #tpu.memory_space<hbm>>) dst(%dma_wait3A_107 : memref<80x128xf32, #tpu.memory_space<vmem>>)
        %run_scoped3A = arith.constant 0 : i32
        "tpu.region"() ({
          %run_scoped3A_118 = tpu.sem_alloc : memref<!tpu.dma_semaphore, #tpu.memory_space<semaphore_mem>>
          %dma_start3A_119 = arith.constant 0 : i32
          %dma_start3A_120 = arith.constant 0 : i32
          %dma_start3A_121 = tpu.memref_slice %arg10[%run_scoped3A, %dma_start3A_119, %dma_start3A_120] : memref<3x80x128xf32, #tpu.memory_space<vmem>> -> memref<1x80x128xf32, #tpu.memory_space<vmem>>
          %dma_start3A_122 = tpu.memref_squeeze %dma_start3A_121 : memref<1x80x128xf32, #tpu.memory_space<vmem>> -> memref<80x128xf32, #tpu.memory_space<vmem>>
          %dma_start3A_123 = arith.constant 0 : i32
          %dma_start3A_124 = arith.constant 0 : i32
          %dma_start3A_125 = tpu.memref_slice %arg11[%dma_start3A_123, %dma_start3A_124] : memref<10000x128xf32, #tpu.memory_space<vmem_shared>> -> memref<10000x128xf32, #tpu.memory_space<vmem_shared>>
          tpu.enqueue_indirect_dma source(%dma_start3A_122 : memref<80x128xf32, #tpu.memory_space<vmem>>) target(%dma_start3A_125 : memref<10000x128xf32, #tpu.memory_space<vmem_shared>>) offsets(%arg7 : memref<80xi32, #tpu.memory_space<vmem>>) semaphore(%run_scoped3A_118 : memref<!tpu.dma_semaphore, #tpu.memory_space<semaphore_mem>>) {add = true}
          %dma_wait3A_126 = arith.constant 0 : i32
          %dma_wait3A_127 = arith.constant 0 : i32
          %dma_wait3A_128 = tpu.memref_slice %arg10[%run_scoped3A, %dma_wait3A_126, %dma_wait3A_127] : memref<3x80x128xf32, #tpu.memory_space<vmem>> -> memref<1x80x128xf32, #tpu.memory_space<vmem>>
          %dma_wait3A_129 = tpu.memref_squeeze %dma_wait3A_128 : memref<1x80x128xf32, #tpu.memory_space<vmem>> -> memref<80x128xf32, #tpu.memory_space<vmem>>
          %dma_wait3A_130 = arith.constant 0 : i32
          %dma_wait3A_131 = arith.constant 0 : i32
          %dma_wait3A_132 = tpu.memref_slice %arg11[%dma_wait3A_130, %dma_wait3A_131] : memref<10000x128xf32, #tpu.memory_space<vmem_shared>> -> memref<10000x128xf32, #tpu.memory_space<vmem_shared>>
          tpu.wait_indirect_dma semaphore(%run_scoped3A_118 : memref<!tpu.dma_semaphore, #tpu.memory_space<semaphore_mem>>) src(%dma_wait3A_129 : memref<80x128xf32, #tpu.memory_space<vmem>>) dst(%dma_wait3A_132 : memref<10000x128xf32, #tpu.memory_space<vmem_shared>>)
          tpu.yield
        }) : () -> ()
        %lt3A = arith.constant 122 : i32
        %lt3A_114 = arith.cmpi slt, %scan3A_78, %lt3A : i32
        %convert_element_type3A_115 = arith.extui %lt3A_114 : i1 to i32
        %cond3A_116 = arith.constant 0 : i32
        %cond3A_117 = arith.cmpi ne, %convert_element_type3A_115, %cond3A_116 : i32
        scf.if %cond3A_117 {
          %add3A_118 = arith.constant 3 : i32
          %add3A_119 = arith.addi %scan3A_78, %add3A_118 : i32
          %dma_start3A_120 = arith.constant 0 : i32
          %dma_start3A_121 = tpu.memref_slice %arg4[%add3A, %add3A_119, %dma_start3A_120] : memref<32x125x80xi32, #tpu.memory_space<hbm>> -> memref<1x1x80xi32, #tpu.memory_space<hbm>>
          %dma_start3A_122 = tpu.memref_squeeze %dma_start3A_121 : memref<1x1x80xi32, #tpu.memory_space<hbm>> -> memref<80xi32, #tpu.memory_space<hbm>>
          %dma_start3A_123 = arith.constant 0 : i32
          %dma_start3A_124 = tpu.memref_slice %arg4[%add3A, %add3A_119, %dma_start3A_123] : memref<32x125x80xi32, #tpu.memory_space<hbm>> -> memref<1x1x80xi32, #tpu.memory_space<hbm>>
          %dma_start3A_125 = tpu.memref_squeeze %dma_start3A_124 : memref<1x1x80xi32, #tpu.memory_space<hbm>> -> memref<80xi32, #tpu.memory_space<hbm>>
          tpu.enqueue_dma source(%dma_start3A_125 : memref<80xi32, #tpu.memory_space<hbm>>) target(%arg7 : memref<80xi32, #tpu.memory_space<vmem>>) target_semaphore(%arg15 : memref<!tpu.dma_semaphore, #tpu.memory_space<semaphore_mem>>)
          %dma_start3A_126 = arith.constant 0 : i32
          %dma_start3A_127 = arith.constant 0 : i32
          %dma_start3A_128 = arith.constant 0 : i32
          %dma_start3A_129 = tpu.memref_slice %arg10[%dma_start3A_126, %dma_start3A_127, %dma_start3A_128] : memref<3x80x128xf32, #tpu.memory_space<vmem>> -> memref<1x80x128xf32, #tpu.memory_space<vmem>>
          %dma_start3A_130 = tpu.memref_squeeze %dma_start3A_129 : memref<1x80x128xf32, #tpu.memory_space<vmem>> -> memref<80x128xf32, #tpu.memory_space<vmem>>
          %dma_start3A_131 = arith.constant 0 : i32
          %dma_start3A_132 = tpu.memref_slice %arg6[%add3A_119, %dma_start3A_131] : memref<125x80xi32, #tpu.memory_space<vmem>> -> memref<1x80xi32, #tpu.memory_space<vmem>>
          %dma_start3A_133 = tpu.memref_squeeze %dma_start3A_132 : memref<1x80xi32, #tpu.memory_space<vmem>> -> memref<80xi32, #tpu.memory_space<vmem>>
          %dma_start3A_134 = arith.constant 0 : i32
          %dma_start3A_135 = arith.constant 0 : i32
          %dma_start3A_136 = tpu.memref_slice %arg2[%dma_start3A_134, %dma_start3A_135] : memref<10000x128xf32, #tpu.memory_space<hbm>> -> memref<10000x128xf32, #tpu.memory_space<hbm>>
          tpu.enqueue_indirect_dma source(%dma_start3A_136 : memref<10000x128xf32, #tpu.memory_space<hbm>>) target(%dma_start3A_130 : memref<80x128xf32, #tpu.memory_space<vmem>>) offsets(%dma_start3A_133 : memref<80xi32, #tpu.memory_space<vmem>>) semaphore(%arg12 : memref<!tpu.dma_semaphore, #tpu.memory_space<semaphore_mem>>)
        } else {
        }
      } else {
      }
      %eq3A_85 = arith.constant 1 : i32
      %eq3A_86 = arith.cmpi eq, %rem3A_79, %eq3A_85 : i32
      %convert_element_type3A_87 = arith.extui %eq3A_86 : i1 to i32
      %cond3A_88 = arith.constant 0 : i32
      %cond3A_89 = arith.cmpi ne, %convert_element_type3A_87, %cond3A_88 : i32
      scf.if %cond3A_89 {
        %dma_wait3A = arith.constant 0 : i32
        %dma_wait3A_95 = arith.constant 0 : i32
        %dma_wait3A_96 = arith.constant 0 : i32
        %dma_wait3A_97 = tpu.memref_slice %arg4[%dma_wait3A, %dma_wait3A_95, %dma_wait3A_96] : memref<32x125x80xi32, #tpu.memory_space<hbm>> -> memref<1x1x80xi32, #tpu.memory_space<hbm>>
        %dma_wait3A_98 = tpu.memref_squeeze %dma_wait3A_97 : memref<1x1x80xi32, #tpu.memory_space<hbm>> -> memref<80xi32, #tpu.memory_space<hbm>>
        %dma_wait3A_99 = arith.constant 0 : i32
        %dma_wait3A_100 = tpu.memref_slice %arg4[%dma_wait3A, %dma_wait3A_95, %dma_wait3A_99] : memref<32x125x80xi32, #tpu.memory_space<hbm>> -> memref<1x1x80xi32, #tpu.memory_space<hbm>>
        %dma_wait3A_101 = tpu.memref_squeeze %dma_wait3A_100 : memref<1x1x80xi32, #tpu.memory_space<hbm>> -> memref<80xi32, #tpu.memory_space<hbm>>
        tpu.wait_dma2 semaphore(%arg16 : memref<!tpu.dma_semaphore, #tpu.memory_space<semaphore_mem>>) src(%dma_wait3A_101 : memref<80xi32, #tpu.memory_space<hbm>>) dst(%arg8 : memref<80xi32, #tpu.memory_space<vmem>>)
        %dma_wait3A_102 = arith.constant 0 : i32
        %dma_wait3A_103 = arith.constant 1 : i32
        %dma_wait3A_104 = arith.constant 0 : i32
        %dma_wait3A_105 = arith.constant 0 : i32
        %dma_wait3A_106 = tpu.memref_slice %arg10[%dma_wait3A_103, %dma_wait3A_104, %dma_wait3A_105] : memref<3x80x128xf32, #tpu.memory_space<vmem>> -> memref<1x80x128xf32, #tpu.memory_space<vmem>>
        %dma_wait3A_107 = tpu.memref_squeeze %dma_wait3A_106 : memref<1x80x128xf32, #tpu.memory_space<vmem>> -> memref<80x128xf32, #tpu.memory_space<vmem>>
        %dma_wait3A_108 = arith.constant 0 : i32
        %dma_wait3A_109 = tpu.memref_slice %arg6[%dma_wait3A_102, %dma_wait3A_108] : memref<125x80xi32, #tpu.memory_space<vmem>> -> memref<1x80xi32, #tpu.memory_space<vmem>>
        %dma_wait3A_110 = tpu.memref_squeeze %dma_wait3A_109 : memref<1x80xi32, #tpu.memory_space<vmem>> -> memref<80xi32, #tpu.memory_space<vmem>>
        %dma_wait3A_111 = arith.constant 0 : i32
        %dma_wait3A_112 = arith.constant 0 : i32
        %dma_wait3A_113 = tpu.memref_slice %arg2[%dma_wait3A_111, %dma_wait3A_112] : memref<10000x128xf32, #tpu.memory_space<hbm>> -> memref<10000x128xf32, #tpu.memory_space<hbm>>
        tpu.wait_indirect_dma semaphore(%arg13 : memref<!tpu.dma_semaphore, #tpu.memory_space<semaphore_mem>>) src(%dma_wait3A_113 : memref<10000x128xf32, #tpu.memory_space<hbm>>) dst(%dma_wait3A_107 : memref<80x128xf32, #tpu.memory_space<vmem>>)
        %run_scoped3A = arith.constant 1 : i32
        "tpu.region"() ({
          %run_scoped3A_118 = tpu.sem_alloc : memref<!tpu.dma_semaphore, #tpu.memory_space<semaphore_mem>>
          %dma_start3A_119 = arith.constant 0 : i32
          %dma_start3A_120 = arith.constant 0 : i32
          %dma_start3A_121 = tpu.memref_slice %arg10[%run_scoped3A, %dma_start3A_119, %dma_start3A_120] : memref<3x80x128xf32, #tpu.memory_space<vmem>> -> memref<1x80x128xf32, #tpu.memory_space<vmem>>
          %dma_start3A_122 = tpu.memref_squeeze %dma_start3A_121 : memref<1x80x128xf32, #tpu.memory_space<vmem>> -> memref<80x128xf32, #tpu.memory_space<vmem>>
          %dma_start3A_123 = arith.constant 0 : i32
          %dma_start3A_124 = arith.constant 0 : i32
          %dma_start3A_125 = tpu.memref_slice %arg11[%dma_start3A_123, %dma_start3A_124] : memref<10000x128xf32, #tpu.memory_space<vmem_shared>> -> memref<10000x128xf32, #tpu.memory_space<vmem_shared>>
          tpu.enqueue_indirect_dma source(%dma_start3A_122 : memref<80x128xf32, #tpu.memory_space<vmem>>) target(%dma_start3A_125 : memref<10000x128xf32, #tpu.memory_space<vmem_shared>>) offsets(%arg8 : memref<80xi32, #tpu.memory_space<vmem>>) semaphore(%run_scoped3A_118 : memref<!tpu.dma_semaphore, #tpu.memory_space<semaphore_mem>>) {add = true}
          %dma_wait3A_126 = arith.constant 0 : i32
          %dma_wait3A_127 = arith.constant 0 : i32
          %dma_wait3A_128 = tpu.memref_slice %arg10[%run_scoped3A, %dma_wait3A_126, %dma_wait3A_127] : memref<3x80x128xf32, #tpu.memory_space<vmem>> -> memref<1x80x128xf32, #tpu.memory_space<vmem>>
          %dma_wait3A_129 = tpu.memref_squeeze %dma_wait3A_128 : memref<1x80x128xf32, #tpu.memory_space<vmem>> -> memref<80x128xf32, #tpu.memory_space<vmem>>
          %dma_wait3A_130 = arith.constant 0 : i32
          %dma_wait3A_131 = arith.constant 0 : i32
          %dma_wait3A_132 = tpu.memref_slice %arg11[%dma_wait3A_130, %dma_wait3A_131] : memref<10000x128xf32, #tpu.memory_space<vmem_shared>> -> memref<10000x128xf32, #tpu.memory_space<vmem_shared>>
          tpu.wait_indirect_dma semaphore(%run_scoped3A_118 : memref<!tpu.dma_semaphore, #tpu.memory_space<semaphore_mem>>) src(%dma_wait3A_129 : memref<80x128xf32, #tpu.memory_space<vmem>>) dst(%dma_wait3A_132 : memref<10000x128xf32, #tpu.memory_space<vmem_shared>>)
          tpu.yield
        }) : () -> ()
        %lt3A = arith.constant 122 : i32
        %lt3A_114 = arith.cmpi slt, %scan3A_78, %lt3A : i32
        %convert_element_type3A_115 = arith.extui %lt3A_114 : i1 to i32
        %cond3A_116 = arith.constant 0 : i32
        %cond3A_117 = arith.cmpi ne, %convert_element_type3A_115, %cond3A_116 : i32
        scf.if %cond3A_117 {
          %add3A_118 = arith.constant 3 : i32
          %add3A_119 = arith.addi %scan3A_78, %add3A_118 : i32
          %dma_start3A_120 = arith.constant 0 : i32
          %dma_start3A_121 = tpu.memref_slice %arg4[%add3A, %add3A_119, %dma_start3A_120] : memref<32x125x80xi32, #tpu.memory_space<hbm>> -> memref<1x1x80xi32, #tpu.memory_space<hbm>>
          %dma_start3A_122 = tpu.memref_squeeze %dma_start3A_121 : memref<1x1x80xi32, #tpu.memory_space<hbm>> -> memref<80xi32, #tpu.memory_space<hbm>>
          %dma_start3A_123 = arith.constant 0 : i32
          %dma_start3A_124 = tpu.memref_slice %arg4[%add3A, %add3A_119, %dma_start3A_123] : memref<32x125x80xi32, #tpu.memory_space<hbm>> -> memref<1x1x80xi32, #tpu.memory_space<hbm>>
          %dma_start3A_125 = tpu.memref_squeeze %dma_start3A_124 : memref<1x1x80xi32, #tpu.memory_space<hbm>> -> memref<80xi32, #tpu.memory_space<hbm>>
          tpu.enqueue_dma source(%dma_start3A_125 : memref<80xi32, #tpu.memory_space<hbm>>) target(%arg8 : memref<80xi32, #tpu.memory_space<vmem>>) target_semaphore(%arg16 : memref<!tpu.dma_semaphore, #tpu.memory_space<semaphore_mem>>)
          %dma_start3A_126 = arith.constant 1 : i32
          %dma_start3A_127 = arith.constant 0 : i32
          %dma_start3A_128 = arith.constant 0 : i32
          %dma_start3A_129 = tpu.memref_slice %arg10[%dma_start3A_126, %dma_start3A_127, %dma_start3A_128] : memref<3x80x128xf32, #tpu.memory_space<vmem>> -> memref<1x80x128xf32, #tpu.memory_space<vmem>>
          %dma_start3A_130 = tpu.memref_squeeze %dma_start3A_129 : memref<1x80x128xf32, #tpu.memory_space<vmem>> -> memref<80x128xf32, #tpu.memory_space<vmem>>
          %dma_start3A_131 = arith.constant 0 : i32
          %dma_start3A_132 = tpu.memref_slice %arg6[%add3A_119, %dma_start3A_131] : memref<125x80xi32, #tpu.memory_space<vmem>> -> memref<1x80xi32, #tpu.memory_space<vmem>>
          %dma_start3A_133 = tpu.memref_squeeze %dma_start3A_132 : memref<1x80xi32, #tpu.memory_space<vmem>> -> memref<80xi32, #tpu.memory_space<vmem>>
          %dma_start3A_134 = arith.constant 0 : i32
          %dma_start3A_135 = arith.constant 0 : i32
          %dma_start3A_136 = tpu.memref_slice %arg2[%dma_start3A_134, %dma_start3A_135] : memref<10000x128xf32, #tpu.memory_space<hbm>> -> memref<10000x128xf32, #tpu.memory_space<hbm>>
          tpu.enqueue_indirect_dma source(%dma_start3A_136 : memref<10000x128xf32, #tpu.memory_space<hbm>>) target(%dma_start3A_130 : memref<80x128xf32, #tpu.memory_space<vmem>>) offsets(%dma_start3A_133 : memref<80xi32, #tpu.memory_space<vmem>>) semaphore(%arg13 : memref<!tpu.dma_semaphore, #tpu.memory_space<semaphore_mem>>)
        } else {
        }
      } else {
      }
      %eq3A_90 = arith.constant 2 : i32
      %eq3A_91 = arith.cmpi eq, %rem3A_79, %eq3A_90 : i32
      %convert_element_type3A_92 = arith.extui %eq3A_91 : i1 to i32
      %cond3A_93 = arith.constant 0 : i32
      %cond3A_94 = arith.cmpi ne, %convert_element_type3A_92, %cond3A_93 : i32
      scf.if %cond3A_94 {
        %dma_wait3A = arith.constant 0 : i32
        %dma_wait3A_95 = arith.constant 0 : i32
        %dma_wait3A_96 = arith.constant 0 : i32
        %dma_wait3A_97 = tpu.memref_slice %arg4[%dma_wait3A, %dma_wait3A_95, %dma_wait3A_96] : memref<32x125x80xi32, #tpu.memory_space<hbm>> -> memref<1x1x80xi32, #tpu.memory_space<hbm>>
        %dma_wait3A_98 = tpu.memref_squeeze %dma_wait3A_97 : memref<1x1x80xi32, #tpu.memory_space<hbm>> -> memref<80xi32, #tpu.memory_space<hbm>>
        %dma_wait3A_99 = arith.constant 0 : i32
        %dma_wait3A_100 = tpu.memref_slice %arg4[%dma_wait3A, %dma_wait3A_95, %dma_wait3A_99] : memref<32x125x80xi32, #tpu.memory_space<hbm>> -> memref<1x1x80xi32, #tpu.memory_space<hbm>>
        %dma_wait3A_101 = tpu.memref_squeeze %dma_wait3A_100 : memref<1x1x80xi32, #tpu.memory_space<hbm>> -> memref<80xi32, #tpu.memory_space<hbm>>
        tpu.wait_dma2 semaphore(%arg17 : memref<!tpu.dma_semaphore, #tpu.memory_space<semaphore_mem>>) src(%dma_wait3A_101 : memref<80xi32, #tpu.memory_space<hbm>>) dst(%arg9 : memref<80xi32, #tpu.memory_space<vmem>>)
        %dma_wait3A_102 = arith.constant 0 : i32
        %dma_wait3A_103 = arith.constant 2 : i32
        %dma_wait3A_104 = arith.constant 0 : i32
        %dma_wait3A_105 = arith.constant 0 : i32
        %dma_wait3A_106 = tpu.memref_slice %arg10[%dma_wait3A_103, %dma_wait3A_104, %dma_wait3A_105] : memref<3x80x128xf32, #tpu.memory_space<vmem>> -> memref<1x80x128xf32, #tpu.memory_space<vmem>>
        %dma_wait3A_107 = tpu.memref_squeeze %dma_wait3A_106 : memref<1x80x128xf32, #tpu.memory_space<vmem>> -> memref<80x128xf32, #tpu.memory_space<vmem>>
        %dma_wait3A_108 = arith.constant 0 : i32
        %dma_wait3A_109 = tpu.memref_slice %arg6[%dma_wait3A_102, %dma_wait3A_108] : memref<125x80xi32, #tpu.memory_space<vmem>> -> memref<1x80xi32, #tpu.memory_space<vmem>>
        %dma_wait3A_110 = tpu.memref_squeeze %dma_wait3A_109 : memref<1x80xi32, #tpu.memory_space<vmem>> -> memref<80xi32, #tpu.memory_space<vmem>>
        %dma_wait3A_111 = arith.constant 0 : i32
        %dma_wait3A_112 = arith.constant 0 : i32
        %dma_wait3A_113 = tpu.memref_slice %arg2[%dma_wait3A_111, %dma_wait3A_112] : memref<10000x128xf32, #tpu.memory_space<hbm>> -> memref<10000x128xf32, #tpu.memory_space<hbm>>
        tpu.wait_indirect_dma semaphore(%arg14 : memref<!tpu.dma_semaphore, #tpu.memory_space<semaphore_mem>>) src(%dma_wait3A_113 : memref<10000x128xf32, #tpu.memory_space<hbm>>) dst(%dma_wait3A_107 : memref<80x128xf32, #tpu.memory_space<vmem>>)
        %run_scoped3A = arith.constant 2 : i32
        "tpu.region"() ({
          %run_scoped3A_118 = tpu.sem_alloc : memref<!tpu.dma_semaphore, #tpu.memory_space<semaphore_mem>>
          %dma_start3A_119 = arith.constant 0 : i32
          %dma_start3A_120 = arith.constant 0 : i32
          %dma_start3A_121 = tpu.memref_slice %arg10[%run_scoped3A, %dma_start3A_119, %dma_start3A_120] : memref<3x80x128xf32, #tpu.memory_space<vmem>> -> memref<1x80x128xf32, #tpu.memory_space<vmem>>
          %dma_start3A_122 = tpu.memref_squeeze %dma_start3A_121 : memref<1x80x128xf32, #tpu.memory_space<vmem>> -> memref<80x128xf32, #tpu.memory_space<vmem>>
          %dma_start3A_123 = arith.constant 0 : i32
          %dma_start3A_124 = arith.constant 0 : i32
          %dma_start3A_125 = tpu.memref_slice %arg11[%dma_start3A_123, %dma_start3A_124] : memref<10000x128xf32, #tpu.memory_space<vmem_shared>> -> memref<10000x128xf32, #tpu.memory_space<vmem_shared>>
          tpu.enqueue_indirect_dma source(%dma_start3A_122 : memref<80x128xf32, #tpu.memory_space<vmem>>) target(%dma_start3A_125 : memref<10000x128xf32, #tpu.memory_space<vmem_shared>>) offsets(%arg9 : memref<80xi32, #tpu.memory_space<vmem>>) semaphore(%run_scoped3A_118 : memref<!tpu.dma_semaphore, #tpu.memory_space<semaphore_mem>>) {add = true}
          %dma_wait3A_126 = arith.constant 0 : i32
          %dma_wait3A_127 = arith.constant 0 : i32
          %dma_wait3A_128 = tpu.memref_slice %arg10[%run_scoped3A, %dma_wait3A_126, %dma_wait3A_127] : memref<3x80x128xf32, #tpu.memory_space<vmem>> -> memref<1x80x128xf32, #tpu.memory_space<vmem>>
          %dma_wait3A_129 = tpu.memref_squeeze %dma_wait3A_128 : memref<1x80x128xf32, #tpu.memory_space<vmem>> -> memref<80x128xf32, #tpu.memory_space<vmem>>
          %dma_wait3A_130 = arith.constant 0 : i32
          %dma_wait3A_131 = arith.constant 0 : i32
          %dma_wait3A_132 = tpu.memref_slice %arg11[%dma_wait3A_130, %dma_wait3A_131] : memref<10000x128xf32, #tpu.memory_space<vmem_shared>> -> memref<10000x128xf32, #tpu.memory_space<vmem_shared>>
          tpu.wait_indirect_dma semaphore(%run_scoped3A_118 : memref<!tpu.dma_semaphore, #tpu.memory_space<semaphore_mem>>) src(%dma_wait3A_129 : memref<80x128xf32, #tpu.memory_space<vmem>>) dst(%dma_wait3A_132 : memref<10000x128xf32, #tpu.memory_space<vmem_shared>>)
          tpu.yield
        }) : () -> ()
        %lt3A = arith.constant 122 : i32
        %lt3A_114 = arith.cmpi slt, %scan3A_78, %lt3A : i32
        %convert_element_type3A_115 = arith.extui %lt3A_114 : i1 to i32
        %cond3A_116 = arith.constant 0 : i32
        %cond3A_117 = arith.cmpi ne, %convert_element_type3A_115, %cond3A_116 : i32
        scf.if %cond3A_117 {
          %add3A_118 = arith.constant 3 : i32
          %add3A_119 = arith.addi %scan3A_78, %add3A_118 : i32
          %dma_start3A_120 = arith.constant 0 : i32
          %dma_start3A_121 = tpu.memref_slice %arg4[%add3A, %add3A_119, %dma_start3A_120] : memref<32x125x80xi32, #tpu.memory_space<hbm>> -> memref<1x1x80xi32, #tpu.memory_space<hbm>>
          %dma_start3A_122 = tpu.memref_squeeze %dma_start3A_121 : memref<1x1x80xi32, #tpu.memory_space<hbm>> -> memref<80xi32, #tpu.memory_space<hbm>>
          %dma_start3A_123 = arith.constant 0 : i32
          %dma_start3A_124 = tpu.memref_slice %arg4[%add3A, %add3A_119, %dma_start3A_123] : memref<32x125x80xi32, #tpu.memory_space<hbm>> -> memref<1x1x80xi32, #tpu.memory_space<hbm>>
          %dma_start3A_125 = tpu.memref_squeeze %dma_start3A_124 : memref<1x1x80xi32, #tpu.memory_space<hbm>> -> memref<80xi32, #tpu.memory_space<hbm>>
          tpu.enqueue_dma source(%dma_start3A_125 : memref<80xi32, #tpu.memory_space<hbm>>) target(%arg9 : memref<80xi32, #tpu.memory_space<vmem>>) target_semaphore(%arg17 : memref<!tpu.dma_semaphore, #tpu.memory_space<semaphore_mem>>)
          %dma_start3A_126 = arith.constant 2 : i32
          %dma_start3A_127 = arith.constant 0 : i32
          %dma_start3A_128 = arith.constant 0 : i32
          %dma_start3A_129 = tpu.memref_slice %arg10[%dma_start3A_126, %dma_start3A_127, %dma_start3A_128] : memref<3x80x128xf32, #tpu.memory_space<vmem>> -> memref<1x80x128xf32, #tpu.memory_space<vmem>>
          %dma_start3A_130 = tpu.memref_squeeze %dma_start3A_129 : memref<1x80x128xf32, #tpu.memory_space<vmem>> -> memref<80x128xf32, #tpu.memory_space<vmem>>
          %dma_start3A_131 = arith.constant 0 : i32
          %dma_start3A_132 = tpu.memref_slice %arg6[%add3A_119, %dma_start3A_131] : memref<125x80xi32, #tpu.memory_space<vmem>> -> memref<1x80xi32, #tpu.memory_space<vmem>>
          %dma_start3A_133 = tpu.memref_squeeze %dma_start3A_132 : memref<1x80xi32, #tpu.memory_space<vmem>> -> memref<80xi32, #tpu.memory_space<vmem>>
          %dma_start3A_134 = arith.constant 0 : i32
          %dma_start3A_135 = arith.constant 0 : i32
          %dma_start3A_136 = tpu.memref_slice %arg2[%dma_start3A_134, %dma_start3A_135] : memref<10000x128xf32, #tpu.memory_space<hbm>> -> memref<10000x128xf32, #tpu.memory_space<hbm>>
          tpu.enqueue_indirect_dma source(%dma_start3A_136 : memref<10000x128xf32, #tpu.memory_space<hbm>>) target(%dma_start3A_130 : memref<80x128xf32, #tpu.memory_space<vmem>>) offsets(%dma_start3A_133 : memref<80xi32, #tpu.memory_space<vmem>>) semaphore(%arg14 : memref<!tpu.dma_semaphore, #tpu.memory_space<semaphore_mem>>)
        } else {
        }
      } else {
      }
    }
    %scan3A_67 = arith.constant 125 : i32
    %barrier3A_68 = arith.constant 0 : index
    tpu.barrier barrier_id(%barrier3A_68)
    %mul3A_69 = arith.constant 624 : i32
    %mul3A_70 = arith.muli %arg1, %mul3A_69 : i32
    %mul3A_71 = arith.constant 624 : i32
    %mul3A_72 = arith.muli %arg1, %mul3A_71 : i32
    "tpu.region"() ({
      %run_scoped3A = tpu.sem_alloc : memref<!tpu.dma_semaphore, #tpu.memory_space<semaphore_mem>>
      %dma_start3A_78 = arith.constant 0 : i32
      %dma_start3A_79 = tpu.memref_slice %arg5[%arg0, %mul3A_72, %dma_start3A_78] : memref<2x10000x128xf32, #tpu.memory_space<hbm>> -> memref<1x624x128xf32, #tpu.memory_space<hbm>>
      %dma_start3A_80 = tpu.memref_squeeze %dma_start3A_79 : memref<1x624x128xf32, #tpu.memory_space<hbm>> -> memref<624x128xf32, #tpu.memory_space<hbm>>
      %dma_start3A_81 = arith.constant 0 : i32
      %dma_start3A_82 = tpu.memref_slice %arg11[%mul3A_70, %dma_start3A_81] : memref<10000x128xf32, #tpu.memory_space<vmem_shared>> -> memref<624x128xf32, #tpu.memory_space<vmem_shared>>
      tpu.enqueue_dma source(%dma_start3A_82 : memref<624x128xf32, #tpu.memory_space<vmem_shared>>) target(%dma_start3A_80 : memref<624x128xf32, #tpu.memory_space<hbm>>) target_semaphore(%run_scoped3A : memref<!tpu.dma_semaphore, #tpu.memory_space<semaphore_mem>>)
      %dma_wait3A = arith.constant 0 : i32
      %dma_wait3A_83 = tpu.memref_slice %arg5[%arg0, %mul3A_72, %dma_wait3A] : memref<2x10000x128xf32, #tpu.memory_space<hbm>> -> memref<1x624x128xf32, #tpu.memory_space<hbm>>
      %dma_wait3A_84 = tpu.memref_squeeze %dma_wait3A_83 : memref<1x624x128xf32, #tpu.memory_space<hbm>> -> memref<624x128xf32, #tpu.memory_space<hbm>>
      %dma_wait3A_85 = arith.constant 0 : i32
      %dma_wait3A_86 = tpu.memref_slice %arg11[%mul3A_70, %dma_wait3A_85] : memref<10000x128xf32, #tpu.memory_space<vmem_shared>> -> memref<624x128xf32, #tpu.memory_space<vmem_shared>>
      tpu.wait_dma2 semaphore(%run_scoped3A : memref<!tpu.dma_semaphore, #tpu.memory_space<semaphore_mem>>) src(%dma_wait3A_86 : memref<624x128xf32, #tpu.memory_space<vmem_shared>>) dst(%dma_wait3A_84 : memref<624x128xf32, #tpu.memory_space<hbm>>)
      tpu.yield
    }) : () -> ()
    %eq3A_73 = arith.constant 15 : i32
    %eq3A_74 = arith.cmpi eq, %arg1, %eq3A_73 : i32
    %convert_element_type3A_75 = arith.extui %eq3A_74 : i1 to i32
    %cond3A_76 = arith.constant 0 : i32
    %cond3A_77 = arith.cmpi ne, %convert_element_type3A_75, %cond3A_76 : i32
    scf.if %cond3A_77 {
      "tpu.region"() ({
        %run_scoped3A = tpu.sem_alloc : memref<!tpu.dma_semaphore, #tpu.memory_space<semaphore_mem>>
        %dma_start3A_78 = arith.constant 9984 : i32
        %dma_start3A_79 = arith.constant 0 : i32
        %dma_start3A_80 = tpu.memref_slice %arg5[%arg0, %dma_start3A_78, %dma_start3A_79] : memref<2x10000x128xf32, #tpu.memory_space<hbm>> -> memref<1x16x128xf32, #tpu.memory_space<hbm>>
        %dma_start3A_81 = tpu.memref_squeeze %dma_start3A_80 : memref<1x16x128xf32, #tpu.memory_space<hbm>> -> memref<16x128xf32, #tpu.memory_space<hbm>>
        %dma_start3A_82 = arith.constant 9984 : i32
        %dma_start3A_83 = arith.constant 0 : i32
        %dma_start3A_84 = tpu.memref_slice %arg11[%dma_start3A_82, %dma_start3A_83] : memref<10000x128xf32, #tpu.memory_space<vmem_shared>> -> memref<16x128xf32, #tpu.memory_space<vmem_shared>>
        tpu.enqueue_dma source(%dma_start3A_84 : memref<16x128xf32, #tpu.memory_space<vmem_shared>>) target(%dma_start3A_81 : memref<16x128xf32, #tpu.memory_space<hbm>>) target_semaphore(%run_scoped3A : memref<!tpu.dma_semaphore, #tpu.memory_space<semaphore_mem>>)
        %dma_wait3A = arith.constant 9984 : i32
        %dma_wait3A_85 = arith.constant 0 : i32
        %dma_wait3A_86 = tpu.memref_slice %arg5[%arg0, %dma_wait3A, %dma_wait3A_85] : memref<2x10000x128xf32, #tpu.memory_space<hbm>> -> memref<1x16x128xf32, #tpu.memory_space<hbm>>
        %dma_wait3A_87 = tpu.memref_squeeze %dma_wait3A_86 : memref<1x16x128xf32, #tpu.memory_space<hbm>> -> memref<16x128xf32, #tpu.memory_space<hbm>>
        %dma_wait3A_88 = arith.constant 9984 : i32
        %dma_wait3A_89 = arith.constant 0 : i32
        %dma_wait3A_90 = tpu.memref_slice %arg11[%dma_wait3A_88, %dma_wait3A_89] : memref<10000x128xf32, #tpu.memory_space<vmem_shared>> -> memref<16x128xf32, #tpu.memory_space<vmem_shared>>
        tpu.wait_dma2 semaphore(%run_scoped3A : memref<!tpu.dma_semaphore, #tpu.memory_space<semaphore_mem>>) src(%dma_wait3A_90 : memref<16x128xf32, #tpu.memory_space<vmem_shared>>) dst(%dma_wait3A_87 : memref<16x128xf32, #tpu.memory_space<hbm>>)
        tpu.yield
      }) : () -> ()
    } else {
    }
    return
  }
}

#map = affine_map<(d0, d1) -> (0, 0)>
#map1 = affine_map<(d0, d1) -> (0, 0, 0)>
module attributes {stable_mosaic.version = 14 : i64} {
  func.func @agg_kernel(%arg0: i32, %arg1: i32, %arg2: memref<10000x128xf32, #tpu.memory_space<hbm>>, %arg3: memref<32x125x80xi32, #tpu.memory_space<hbm>>, %arg4: memref<32x125x80xi32, #tpu.memory_space<hbm>>, %arg5: memref<2x10000x128xf32, #tpu.memory_space<hbm>>, %arg6: memref<125x80xi32, #tpu.memory_space<vmem>>, %arg7: memref<80xi32, #tpu.memory_space<vmem>>, %arg8: memref<80xi32, #tpu.memory_space<vmem>>, %arg9: memref<80xi32, #tpu.memory_space<vmem>>, %arg10: memref<3x80x128xf32, #tpu.memory_space<vmem>>, %arg11: memref<10000x128xf32, #tpu.memory_space<vmem_shared>>, %arg12: memref<!tpu.dma_semaphore, #tpu.memory_space<semaphore_mem>>, %arg13: memref<!tpu.dma_semaphore, #tpu.memory_space<semaphore_mem>>, %arg14: memref<!tpu.dma_semaphore, #tpu.memory_space<semaphore_mem>>, %arg15: memref<!tpu.dma_semaphore, #tpu.memory_space<semaphore_mem>>, %arg16: memref<!tpu.dma_semaphore, #tpu.memory_space<semaphore_mem>>, %arg17: memref<!tpu.dma_semaphore, #tpu.memory_space<semaphore_mem>>) attributes {dimension_semantics = [#tpu.dimension_semantics<core_parallel>, #tpu.dimension_semantics<subcore_parallel>], iteration_bounds = array<i64: 2, 16>, scalar_prefetch = 0 : i64, scratch_operands = 12 : i64, tpu.core_type = #tpu.core_type<sc_vector_subcore>, window_params = [{transform_indices = #map}, {transform_indices = #map1}, {transform_indices = #map1}, {transform_indices = #map1}]} {
    %mul3A = arith.constant 16 : i32
    %mul3A_0 = arith.muli %arg0, %mul3A : i32
    %add3A = arith.addi %mul3A_0, %arg1 : i32
    "tpu.region"() ({
      %run_scoped3A = tpu.sem_alloc : memref<!tpu.dma_semaphore, #tpu.memory_space<semaphore_mem>>
      %dma_start3A_78 = arith.constant 0 : i32
      %dma_start3A_79 = arith.constant 0 : i32
      %dma_start3A_80 = tpu.memref_slice %arg3[%add3A, %dma_start3A_78, %dma_start3A_79] : memref<32x125x80xi32, #tpu.memory_space<hbm>> -> memref<1x125x80xi32, #tpu.memory_space<hbm>>
      %dma_start3A_81 = tpu.memref_squeeze %dma_start3A_80 : memref<1x125x80xi32, #tpu.memory_space<hbm>> -> memref<125x80xi32, #tpu.memory_space<hbm>>
      %dma_start3A_82 = arith.constant 0 : i32
      %dma_start3A_83 = arith.constant 0 : i32
      %dma_start3A_84 = tpu.memref_slice %arg3[%add3A, %dma_start3A_82, %dma_start3A_83] : memref<32x125x80xi32, #tpu.memory_space<hbm>> -> memref<1x125x80xi32, #tpu.memory_space<hbm>>
      %dma_start3A_85 = tpu.memref_squeeze %dma_start3A_84 : memref<1x125x80xi32, #tpu.memory_space<hbm>> -> memref<125x80xi32, #tpu.memory_space<hbm>>
      tpu.enqueue_dma source(%dma_start3A_85 : memref<125x80xi32, #tpu.memory_space<hbm>>) target(%arg6 : memref<125x80xi32, #tpu.memory_space<vmem>>) target_semaphore(%run_scoped3A : memref<!tpu.dma_semaphore, #tpu.memory_space<semaphore_mem>>)
      %dma_wait3A = arith.constant 0 : i32
      %dma_wait3A_86 = arith.constant 0 : i32
      %dma_wait3A_87 = tpu.memref_slice %arg3[%add3A, %dma_wait3A, %dma_wait3A_86] : memref<32x125x80xi32, #tpu.memory_space<hbm>> -> memref<1x125x80xi32, #tpu.memory_space<hbm>>
      %dma_wait3A_88 = tpu.memref_squeeze %dma_wait3A_87 : memref<1x125x80xi32, #tpu.memory_space<hbm>> -> memref<125x80xi32, #tpu.memory_space<hbm>>
      %dma_wait3A_89 = arith.constant 0 : i32
      %dma_wait3A_90 = arith.constant 0 : i32
      %dma_wait3A_91 = tpu.memref_slice %arg3[%add3A, %dma_wait3A_89, %dma_wait3A_90] : memref<32x125x80xi32, #tpu.memory_space<hbm>> -> memref<1x125x80xi32, #tpu.memory_space<hbm>>
      %dma_wait3A_92 = tpu.memref_squeeze %dma_wait3A_91 : memref<1x125x80xi32, #tpu.memory_space<hbm>> -> memref<125x80xi32, #tpu.memory_space<hbm>>
      tpu.wait_dma2 semaphore(%run_scoped3A : memref<!tpu.dma_semaphore, #tpu.memory_space<semaphore_mem>>) src(%dma_wait3A_92 : memref<125x80xi32, #tpu.memory_space<hbm>>) dst(%arg6 : memref<125x80xi32, #tpu.memory_space<vmem>>)
      tpu.yield
    }) : () -> ()
    %mul3A_1 = arith.constant 624 : i32
    %mul3A_2 = arith.muli %arg1, %mul3A_1 : i32
    %mul3A_3 = arith.constant 624 : i32
    %mul3A_4 = arith.muli %arg1, %mul3A_3 : i32
    "tpu.region"() ({
      %run_scoped3A = tpu.sem_alloc : memref<!tpu.dma_semaphore, #tpu.memory_space<semaphore_mem>>
      %dma_start3A_78 = arith.constant 0 : i32
      %dma_start3A_79 = tpu.memref_slice %arg11[%mul3A_4, %dma_start3A_78] : memref<10000x128xf32, #tpu.memory_space<vmem_shared>> -> memref<624x128xf32, #tpu.memory_space<vmem_shared>>
      %dma_start3A_80 = arith.constant 0 : i32
      %dma_start3A_81 = tpu.memref_slice %arg2[%mul3A_2, %dma_start3A_80] : memref<10000x128xf32, #tpu.memory_space<hbm>> -> memref<624x128xf32, #tpu.memory_space<hbm>>
      tpu.enqueue_dma source(%dma_start3A_81 : memref<624x128xf32, #tpu.memory_space<hbm>>) target(%dma_start3A_79 : memref<624x128xf32, #tpu.memory_space<vmem_shared>>) target_semaphore(%run_scoped3A : memref<!tpu.dma_semaphore, #tpu.memory_space<semaphore_mem>>)
      %dma_wait3A = arith.constant 0 : i32
      %dma_wait3A_82 = tpu.memref_slice %arg11[%mul3A_4, %dma_wait3A] : memref<10000x128xf32, #tpu.memory_space<vmem_shared>> -> memref<624x128xf32, #tpu.memory_space<vmem_shared>>
      %dma_wait3A_83 = arith.constant 0 : i32
      %dma_wait3A_84 = tpu.memref_slice %arg2[%mul3A_2, %dma_wait3A_83] : memref<10000x128xf32, #tpu.memory_space<hbm>> -> memref<624x128xf32, #tpu.memory_space<hbm>>
      tpu.wait_dma2 semaphore(%run_scoped3A : memref<!tpu.dma_semaphore, #tpu.memory_space<semaphore_mem>>) src(%dma_wait3A_84 : memref<624x128xf32, #tpu.memory_space<hbm>>) dst(%dma_wait3A_82 : memref<624x128xf32, #tpu.memory_space<vmem_shared>>)
      tpu.yield
    }) : () -> ()
    %eq3A = arith.constant 15 : i32
    %eq3A_5 = arith.cmpi eq, %arg1, %eq3A : i32
    %convert_element_type3A = arith.extui %eq3A_5 : i1 to i32
    %cond3A = arith.constant 0 : i32
    %cond3A_6 = arith.cmpi ne, %convert_element_type3A, %cond3A : i32
    scf.if %cond3A_6 {
      "tpu.region"() ({
        %run_scoped3A = tpu.sem_alloc : memref<!tpu.dma_semaphore, #tpu.memory_space<semaphore_mem>>
        %dma_start3A_78 = arith.constant 9984 : i32
        %dma_start3A_79 = arith.constant 0 : i32
        %dma_start3A_80 = tpu.memref_slice %arg11[%dma_start3A_78, %dma_start3A_79] : memref<10000x128xf32, #tpu.memory_space<vmem_shared>> -> memref<16x128xf32, #tpu.memory_space<vmem_shared>>
        %dma_start3A_81 = arith.constant 9984 : i32
        %dma_start3A_82 = arith.constant 0 : i32
        %dma_start3A_83 = tpu.memref_slice %arg2[%dma_start3A_81, %dma_start3A_82] : memref<10000x128xf32, #tpu.memory_space<hbm>> -> memref<16x128xf32, #tpu.memory_space<hbm>>
        tpu.enqueue_dma source(%dma_start3A_83 : memref<16x128xf32, #tpu.memory_space<hbm>>) target(%dma_start3A_80 : memref<16x128xf32, #tpu.memory_space<vmem_shared>>) target_semaphore(%run_scoped3A : memref<!tpu.dma_semaphore, #tpu.memory_space<semaphore_mem>>)
        %dma_wait3A = arith.constant 9984 : i32
        %dma_wait3A_84 = arith.constant 0 : i32
        %dma_wait3A_85 = tpu.memref_slice %arg11[%dma_wait3A, %dma_wait3A_84] : memref<10000x128xf32, #tpu.memory_space<vmem_shared>> -> memref<16x128xf32, #tpu.memory_space<vmem_shared>>
        %dma_wait3A_86 = arith.constant 9984 : i32
        %dma_wait3A_87 = arith.constant 0 : i32
        %dma_wait3A_88 = tpu.memref_slice %arg2[%dma_wait3A_86, %dma_wait3A_87] : memref<10000x128xf32, #tpu.memory_space<hbm>> -> memref<16x128xf32, #tpu.memory_space<hbm>>
        tpu.wait_dma2 semaphore(%run_scoped3A : memref<!tpu.dma_semaphore, #tpu.memory_space<semaphore_mem>>) src(%dma_wait3A_88 : memref<16x128xf32, #tpu.memory_space<hbm>>) dst(%dma_wait3A_85 : memref<16x128xf32, #tpu.memory_space<vmem_shared>>)
        tpu.yield
      }) : () -> ()
    } else {
    }
    %barrier3A = arith.constant 0 : index
    tpu.barrier barrier_id(%barrier3A)
    %dma_start3A = arith.constant 0 : i32
    %dma_start3A_7 = arith.constant 0 : i32
    %dma_start3A_8 = tpu.memref_slice %arg4[%add3A, %dma_start3A, %dma_start3A_7] : memref<32x125x80xi32, #tpu.memory_space<hbm>> -> memref<1x1x80xi32, #tpu.memory_space<hbm>>
    %dma_start3A_9 = tpu.memref_squeeze %dma_start3A_8 : memref<1x1x80xi32, #tpu.memory_space<hbm>> -> memref<80xi32, #tpu.memory_space<hbm>>
    %dma_start3A_10 = arith.constant 0 : i32
    %dma_start3A_11 = tpu.memref_slice %arg4[%add3A, %dma_start3A, %dma_start3A_10] : memref<32x125x80xi32, #tpu.memory_space<hbm>> -> memref<1x1x80xi32, #tpu.memory_space<hbm>>
    %dma_start3A_12 = tpu.memref_squeeze %dma_start3A_11 : memref<1x1x80xi32, #tpu.memory_space<hbm>> -> memref<80xi32, #tpu.memory_space<hbm>>
    tpu.enqueue_dma source(%dma_start3A_12 : memref<80xi32, #tpu.memory_space<hbm>>) target(%arg7 : memref<80xi32, #tpu.memory_space<vmem>>) target_semaphore(%arg15 : memref<!tpu.dma_semaphore, #tpu.memory_space<semaphore_mem>>)
    %dma_start3A_13 = arith.constant 0 : i32
    %dma_start3A_14 = arith.constant 0 : i32
    %dma_start3A_15 = arith.constant 0 : i32
    %dma_start3A_16 = arith.constant 0 : i32
    %dma_start3A_17 = tpu.memref_slice %arg10[%dma_start3A_14, %dma_start3A_15, %dma_start3A_16] : memref<3x80x128xf32, #tpu.memory_space<vmem>> -> memref<1x80x128xf32, #tpu.memory_space<vmem>>
    %dma_start3A_18 = tpu.memref_squeeze %dma_start3A_17 : memref<1x80x128xf32, #tpu.memory_space<vmem>> -> memref<80x128xf32, #tpu.memory_space<vmem>>
    %dma_start3A_19 = arith.constant 0 : i32
    %dma_start3A_20 = tpu.memref_slice %arg6[%dma_start3A_13, %dma_start3A_19] : memref<125x80xi32, #tpu.memory_space<vmem>> -> memref<1x80xi32, #tpu.memory_space<vmem>>
    %dma_start3A_21 = tpu.memref_squeeze %dma_start3A_20 : memref<1x80xi32, #tpu.memory_space<vmem>> -> memref<80xi32, #tpu.memory_space<vmem>>
    %dma_start3A_22 = arith.constant 0 : i32
    %dma_start3A_23 = arith.constant 0 : i32
    %dma_start3A_24 = tpu.memref_slice %arg2[%dma_start3A_22, %dma_start3A_23] : memref<10000x128xf32, #tpu.memory_space<hbm>> -> memref<10000x128xf32, #tpu.memory_space<hbm>>
    tpu.enqueue_indirect_dma source(%dma_start3A_24 : memref<10000x128xf32, #tpu.memory_space<hbm>>) target(%dma_start3A_18 : memref<80x128xf32, #tpu.memory_space<vmem>>) offsets(%dma_start3A_21 : memref<80xi32, #tpu.memory_space<vmem>>) semaphore(%arg12 : memref<!tpu.dma_semaphore, #tpu.memory_space<semaphore_mem>>)
    %dma_start3A_25 = arith.constant 1 : i32
    %dma_start3A_26 = arith.constant 0 : i32
    %dma_start3A_27 = tpu.memref_slice %arg4[%add3A, %dma_start3A_25, %dma_start3A_26] : memref<32x125x80xi32, #tpu.memory_space<hbm>> -> memref<1x1x80xi32, #tpu.memory_space<hbm>>
    %dma_start3A_28 = tpu.memref_squeeze %dma_start3A_27 : memref<1x1x80xi32, #tpu.memory_space<hbm>> -> memref<80xi32, #tpu.memory_space<hbm>>
    %dma_start3A_29 = arith.constant 0 : i32
    %dma_start3A_30 = tpu.memref_slice %arg4[%add3A, %dma_start3A_25, %dma_start3A_29] : memref<32x125x80xi32, #tpu.memory_space<hbm>> -> memref<1x1x80xi32, #tpu.memory_space<hbm>>
    %dma_start3A_31 = tpu.memref_squeeze %dma_start3A_30 : memref<1x1x80xi32, #tpu.memory_space<hbm>> -> memref<80xi32, #tpu.memory_space<hbm>>
    tpu.enqueue_dma source(%dma_start3A_31 : memref<80xi32, #tpu.memory_space<hbm>>) target(%arg8 : memref<80xi32, #tpu.memory_space<vmem>>) target_semaphore(%arg16 : memref<!tpu.dma_semaphore, #tpu.memory_space<semaphore_mem>>)
    %dma_start3A_32 = arith.constant 1 : i32
    %dma_start3A_33 = arith.constant 1 : i32
    %dma_start3A_34 = arith.constant 0 : i32
    %dma_start3A_35 = arith.constant 0 : i32
    %dma_start3A_36 = tpu.memref_slice %arg10[%dma_start3A_33, %dma_start3A_34, %dma_start3A_35] : memref<3x80x128xf32, #tpu.memory_space<vmem>> -> memref<1x80x128xf32, #tpu.memory_space<vmem>>
    %dma_start3A_37 = tpu.memref_squeeze %dma_start3A_36 : memref<1x80x128xf32, #tpu.memory_space<vmem>> -> memref<80x128xf32, #tpu.memory_space<vmem>>
    %dma_start3A_38 = arith.constant 0 : i32
    %dma_start3A_39 = tpu.memref_slice %arg6[%dma_start3A_32, %dma_start3A_38] : memref<125x80xi32, #tpu.memory_space<vmem>> -> memref<1x80xi32, #tpu.memory_space<vmem>>
    %dma_start3A_40 = tpu.memref_squeeze %dma_start3A_39 : memref<1x80xi32, #tpu.memory_space<vmem>> -> memref<80xi32, #tpu.memory_space<vmem>>
    %dma_start3A_41 = arith.constant 0 : i32
    %dma_start3A_42 = arith.constant 0 : i32
    %dma_start3A_43 = tpu.memref_slice %arg2[%dma_start3A_41, %dma_start3A_42] : memref<10000x128xf32, #tpu.memory_space<hbm>> -> memref<10000x128xf32, #tpu.memory_space<hbm>>
    tpu.enqueue_indirect_dma source(%dma_start3A_43 : memref<10000x128xf32, #tpu.memory_space<hbm>>) target(%dma_start3A_37 : memref<80x128xf32, #tpu.memory_space<vmem>>) offsets(%dma_start3A_40 : memref<80xi32, #tpu.memory_space<vmem>>) semaphore(%arg13 : memref<!tpu.dma_semaphore, #tpu.memory_space<semaphore_mem>>)
    %dma_start3A_44 = arith.constant 2 : i32
    %dma_start3A_45 = arith.constant 0 : i32
    %dma_start3A_46 = tpu.memref_slice %arg4[%add3A, %dma_start3A_44, %dma_start3A_45] : memref<32x125x80xi32, #tpu.memory_space<hbm>> -> memref<1x1x80xi32, #tpu.memory_space<hbm>>
    %dma_start3A_47 = tpu.memref_squeeze %dma_start3A_46 : memref<1x1x80xi32, #tpu.memory_space<hbm>> -> memref<80xi32, #tpu.memory_space<hbm>>
    %dma_start3A_48 = arith.constant 0 : i32
    %dma_start3A_49 = tpu.memref_slice %arg4[%add3A, %dma_start3A_44, %dma_start3A_48] : memref<32x125x80xi32, #tpu.memory_space<hbm>> -> memref<1x1x80xi32, #tpu.memory_space<hbm>>
    %dma_start3A_50 = tpu.memref_squeeze %dma_start3A_49 : memref<1x1x80xi32, #tpu.memory_space<hbm>> -> memref<80xi32, #tpu.memory_space<hbm>>
    tpu.enqueue_dma source(%dma_start3A_50 : memref<80xi32, #tpu.memory_space<hbm>>) target(%arg9 : memref<80xi32, #tpu.memory_space<vmem>>) target_semaphore(%arg17 : memref<!tpu.dma_semaphore, #tpu.memory_space<semaphore_mem>>)
    %dma_start3A_51 = arith.constant 2 : i32
    %dma_start3A_52 = arith.constant 2 : i32
    %dma_start3A_53 = arith.constant 0 : i32
    %dma_start3A_54 = arith.constant 0 : i32
    %dma_start3A_55 = tpu.memref_slice %arg10[%dma_start3A_52, %dma_start3A_53, %dma_start3A_54] : memref<3x80x128xf32, #tpu.memory_space<vmem>> -> memref<1x80x128xf32, #tpu.memory_space<vmem>>
    %dma_start3A_56 = tpu.memref_squeeze %dma_start3A_55 : memref<1x80x128xf32, #tpu.memory_space<vmem>> -> memref<80x128xf32, #tpu.memory_space<vmem>>
    %dma_start3A_57 = arith.constant 0 : i32
    %dma_start3A_58 = tpu.memref_slice %arg6[%dma_start3A_51, %dma_start3A_57] : memref<125x80xi32, #tpu.memory_space<vmem>> -> memref<1x80xi32, #tpu.memory_space<vmem>>
    %dma_start3A_59 = tpu.memref_squeeze %dma_start3A_58 : memref<1x80xi32, #tpu.memory_space<vmem>> -> memref<80xi32, #tpu.memory_space<vmem>>
    %dma_start3A_60 = arith.constant 0 : i32
    %dma_start3A_61 = arith.constant 0 : i32
    %dma_start3A_62 = tpu.memref_slice %arg2[%dma_start3A_60, %dma_start3A_61] : memref<10000x128xf32, #tpu.memory_space<hbm>> -> memref<10000x128xf32, #tpu.memory_space<hbm>>
    tpu.enqueue_indirect_dma source(%dma_start3A_62 : memref<10000x128xf32, #tpu.memory_space<hbm>>) target(%dma_start3A_56 : memref<80x128xf32, #tpu.memory_space<vmem>>) offsets(%dma_start3A_59 : memref<80xi32, #tpu.memory_space<vmem>>) semaphore(%arg14 : memref<!tpu.dma_semaphore, #tpu.memory_space<semaphore_mem>>)
    %scan3A = arith.constant 0 : i32
    %scan3A_63 = arith.constant 0 : i32
    %scan3A_64 = arith.constant 125 : i32
    %scan3A_65 = arith.addi %scan3A_63, %scan3A_64 : i32
    %scan3A_66 = arith.constant 1 : i32
    scf.for %scan3A_78 = %scan3A_63 to %scan3A_65 step %scan3A_66  : i32 {
      %rem3A = arith.constant 3 : i32
      %rem3A_79 = arith.remsi %scan3A_78, %rem3A : i32
      %eq3A_80 = arith.constant 0 : i32
      %eq3A_81 = arith.cmpi eq, %rem3A_79, %eq3A_80 : i32
      %convert_element_type3A_82 = arith.extui %eq3A_81 : i1 to i32
      %cond3A_83 = arith.constant 0 : i32
      %cond3A_84 = arith.cmpi ne, %convert_element_type3A_82, %cond3A_83 : i32
      scf.if %cond3A_84 {
        %dma_wait3A = arith.constant 0 : i32
        %dma_wait3A_95 = arith.constant 0 : i32
        %dma_wait3A_96 = arith.constant 0 : i32
        %dma_wait3A_97 = tpu.memref_slice %arg4[%dma_wait3A, %dma_wait3A_95, %dma_wait3A_96] : memref<32x125x80xi32, #tpu.memory_space<hbm>> -> memref<1x1x80xi32, #tpu.memory_space<hbm>>
        %dma_wait3A_98 = tpu.memref_squeeze %dma_wait3A_97 : memref<1x1x80xi32, #tpu.memory_space<hbm>> -> memref<80xi32, #tpu.memory_space<hbm>>
        %dma_wait3A_99 = arith.constant 0 : i32
        %dma_wait3A_100 = tpu.memref_slice %arg4[%dma_wait3A, %dma_wait3A_95, %dma_wait3A_99] : memref<32x125x80xi32, #tpu.memory_space<hbm>> -> memref<1x1x80xi32, #tpu.memory_space<hbm>>
        %dma_wait3A_101 = tpu.memref_squeeze %dma_wait3A_100 : memref<1x1x80xi32, #tpu.memory_space<hbm>> -> memref<80xi32, #tpu.memory_space<hbm>>
        tpu.wait_dma2 semaphore(%arg15 : memref<!tpu.dma_semaphore, #tpu.memory_space<semaphore_mem>>) src(%dma_wait3A_101 : memref<80xi32, #tpu.memory_space<hbm>>) dst(%arg7 : memref<80xi32, #tpu.memory_space<vmem>>)
        %dma_wait3A_102 = arith.constant 0 : i32
        %dma_wait3A_103 = arith.constant 0 : i32
        %dma_wait3A_104 = arith.constant 0 : i32
        %dma_wait3A_105 = arith.constant 0 : i32
        %dma_wait3A_106 = tpu.memref_slice %arg10[%dma_wait3A_103, %dma_wait3A_104, %dma_wait3A_105] : memref<3x80x128xf32, #tpu.memory_space<vmem>> -> memref<1x80x128xf32, #tpu.memory_space<vmem>>
        %dma_wait3A_107 = tpu.memref_squeeze %dma_wait3A_106 : memref<1x80x128xf32, #tpu.memory_space<vmem>> -> memref<80x128xf32, #tpu.memory_space<vmem>>
        %dma_wait3A_108 = arith.constant 0 : i32
        %dma_wait3A_109 = tpu.memref_slice %arg6[%dma_wait3A_102, %dma_wait3A_108] : memref<125x80xi32, #tpu.memory_space<vmem>> -> memref<1x80xi32, #tpu.memory_space<vmem>>
        %dma_wait3A_110 = tpu.memref_squeeze %dma_wait3A_109 : memref<1x80xi32, #tpu.memory_space<vmem>> -> memref<80xi32, #tpu.memory_space<vmem>>
        %dma_wait3A_111 = arith.constant 0 : i32
        %dma_wait3A_112 = arith.constant 0 : i32
        %dma_wait3A_113 = tpu.memref_slice %arg2[%dma_wait3A_111, %dma_wait3A_112] : memref<10000x128xf32, #tpu.memory_space<hbm>> -> memref<10000x128xf32, #tpu.memory_space<hbm>>
        tpu.wait_indirect_dma semaphore(%arg12 : memref<!tpu.dma_semaphore, #tpu.memory_space<semaphore_mem>>) src(%dma_wait3A_113 : memref<10000x128xf32, #tpu.memory_space<hbm>>) dst(%dma_wait3A_107 : memref<80x128xf32, #tpu.memory_space<vmem>>)
        %run_scoped3A = arith.constant 0 : i32
        "tpu.region"() ({
          %run_scoped3A_118 = tpu.sem_alloc : memref<!tpu.dma_semaphore, #tpu.memory_space<semaphore_mem>>
          %dma_start3A_119 = arith.constant 0 : i32
          %dma_start3A_120 = arith.constant 0 : i32
          %dma_start3A_121 = tpu.memref_slice %arg10[%run_scoped3A, %dma_start3A_119, %dma_start3A_120] : memref<3x80x128xf32, #tpu.memory_space<vmem>> -> memref<1x80x128xf32, #tpu.memory_space<vmem>>
          %dma_start3A_122 = tpu.memref_squeeze %dma_start3A_121 : memref<1x80x128xf32, #tpu.memory_space<vmem>> -> memref<80x128xf32, #tpu.memory_space<vmem>>
          %dma_start3A_123 = arith.constant 0 : i32
          %dma_start3A_124 = arith.constant 0 : i32
          %dma_start3A_125 = tpu.memref_slice %arg11[%dma_start3A_123, %dma_start3A_124] : memref<10000x128xf32, #tpu.memory_space<vmem_shared>> -> memref<10000x128xf32, #tpu.memory_space<vmem_shared>>
          tpu.enqueue_indirect_dma source(%dma_start3A_122 : memref<80x128xf32, #tpu.memory_space<vmem>>) target(%dma_start3A_125 : memref<10000x128xf32, #tpu.memory_space<vmem_shared>>) offsets(%arg7 : memref<80xi32, #tpu.memory_space<vmem>>) semaphore(%run_scoped3A_118 : memref<!tpu.dma_semaphore, #tpu.memory_space<semaphore_mem>>) {add = true}
          %dma_wait3A_126 = arith.constant 0 : i32
          %dma_wait3A_127 = arith.constant 0 : i32
          %dma_wait3A_128 = tpu.memref_slice %arg10[%run_scoped3A, %dma_wait3A_126, %dma_wait3A_127] : memref<3x80x128xf32, #tpu.memory_space<vmem>> -> memref<1x80x128xf32, #tpu.memory_space<vmem>>
          %dma_wait3A_129 = tpu.memref_squeeze %dma_wait3A_128 : memref<1x80x128xf32, #tpu.memory_space<vmem>> -> memref<80x128xf32, #tpu.memory_space<vmem>>
          %dma_wait3A_130 = arith.constant 0 : i32
          %dma_wait3A_131 = arith.constant 0 : i32
          %dma_wait3A_132 = tpu.memref_slice %arg11[%dma_wait3A_130, %dma_wait3A_131] : memref<10000x128xf32, #tpu.memory_space<vmem_shared>> -> memref<10000x128xf32, #tpu.memory_space<vmem_shared>>
          tpu.wait_indirect_dma semaphore(%run_scoped3A_118 : memref<!tpu.dma_semaphore, #tpu.memory_space<semaphore_mem>>) src(%dma_wait3A_129 : memref<80x128xf32, #tpu.memory_space<vmem>>) dst(%dma_wait3A_132 : memref<10000x128xf32, #tpu.memory_space<vmem_shared>>)
          tpu.yield
        }) : () -> ()
        %lt3A = arith.constant 122 : i32
        %lt3A_114 = arith.cmpi slt, %scan3A_78, %lt3A : i32
        %convert_element_type3A_115 = arith.extui %lt3A_114 : i1 to i32
        %cond3A_116 = arith.constant 0 : i32
        %cond3A_117 = arith.cmpi ne, %convert_element_type3A_115, %cond3A_116 : i32
        scf.if %cond3A_117 {
          %add3A_118 = arith.constant 3 : i32
          %add3A_119 = arith.addi %scan3A_78, %add3A_118 : i32
          %dma_start3A_120 = arith.constant 0 : i32
          %dma_start3A_121 = tpu.memref_slice %arg4[%add3A, %add3A_119, %dma_start3A_120] : memref<32x125x80xi32, #tpu.memory_space<hbm>> -> memref<1x1x80xi32, #tpu.memory_space<hbm>>
          %dma_start3A_122 = tpu.memref_squeeze %dma_start3A_121 : memref<1x1x80xi32, #tpu.memory_space<hbm>> -> memref<80xi32, #tpu.memory_space<hbm>>
          %dma_start3A_123 = arith.constant 0 : i32
          %dma_start3A_124 = tpu.memref_slice %arg4[%add3A, %add3A_119, %dma_start3A_123] : memref<32x125x80xi32, #tpu.memory_space<hbm>> -> memref<1x1x80xi32, #tpu.memory_space<hbm>>
          %dma_start3A_125 = tpu.memref_squeeze %dma_start3A_124 : memref<1x1x80xi32, #tpu.memory_space<hbm>> -> memref<80xi32, #tpu.memory_space<hbm>>
          tpu.enqueue_dma source(%dma_start3A_125 : memref<80xi32, #tpu.memory_space<hbm>>) target(%arg7 : memref<80xi32, #tpu.memory_space<vmem>>) target_semaphore(%arg15 : memref<!tpu.dma_semaphore, #tpu.memory_space<semaphore_mem>>)
          %dma_start3A_126 = arith.constant 0 : i32
          %dma_start3A_127 = arith.constant 0 : i32
          %dma_start3A_128 = arith.constant 0 : i32
          %dma_start3A_129 = tpu.memref_slice %arg10[%dma_start3A_126, %dma_start3A_127, %dma_start3A_128] : memref<3x80x128xf32, #tpu.memory_space<vmem>> -> memref<1x80x128xf32, #tpu.memory_space<vmem>>
          %dma_start3A_130 = tpu.memref_squeeze %dma_start3A_129 : memref<1x80x128xf32, #tpu.memory_space<vmem>> -> memref<80x128xf32, #tpu.memory_space<vmem>>
          %dma_start3A_131 = arith.constant 0 : i32
          %dma_start3A_132 = tpu.memref_slice %arg6[%add3A_119, %dma_start3A_131] : memref<125x80xi32, #tpu.memory_space<vmem>> -> memref<1x80xi32, #tpu.memory_space<vmem>>
          %dma_start3A_133 = tpu.memref_squeeze %dma_start3A_132 : memref<1x80xi32, #tpu.memory_space<vmem>> -> memref<80xi32, #tpu.memory_space<vmem>>
          %dma_start3A_134 = arith.constant 0 : i32
          %dma_start3A_135 = arith.constant 0 : i32
          %dma_start3A_136 = tpu.memref_slice %arg2[%dma_start3A_134, %dma_start3A_135] : memref<10000x128xf32, #tpu.memory_space<hbm>> -> memref<10000x128xf32, #tpu.memory_space<hbm>>
          tpu.enqueue_indirect_dma source(%dma_start3A_136 : memref<10000x128xf32, #tpu.memory_space<hbm>>) target(%dma_start3A_130 : memref<80x128xf32, #tpu.memory_space<vmem>>) offsets(%dma_start3A_133 : memref<80xi32, #tpu.memory_space<vmem>>) semaphore(%arg12 : memref<!tpu.dma_semaphore, #tpu.memory_space<semaphore_mem>>)
        } else {
        }
      } else {
      }
      %eq3A_85 = arith.constant 1 : i32
      %eq3A_86 = arith.cmpi eq, %rem3A_79, %eq3A_85 : i32
      %convert_element_type3A_87 = arith.extui %eq3A_86 : i1 to i32
      %cond3A_88 = arith.constant 0 : i32
      %cond3A_89 = arith.cmpi ne, %convert_element_type3A_87, %cond3A_88 : i32
      scf.if %cond3A_89 {
        %dma_wait3A = arith.constant 0 : i32
        %dma_wait3A_95 = arith.constant 0 : i32
        %dma_wait3A_96 = arith.constant 0 : i32
        %dma_wait3A_97 = tpu.memref_slice %arg4[%dma_wait3A, %dma_wait3A_95, %dma_wait3A_96] : memref<32x125x80xi32, #tpu.memory_space<hbm>> -> memref<1x1x80xi32, #tpu.memory_space<hbm>>
        %dma_wait3A_98 = tpu.memref_squeeze %dma_wait3A_97 : memref<1x1x80xi32, #tpu.memory_space<hbm>> -> memref<80xi32, #tpu.memory_space<hbm>>
        %dma_wait3A_99 = arith.constant 0 : i32
        %dma_wait3A_100 = tpu.memref_slice %arg4[%dma_wait3A, %dma_wait3A_95, %dma_wait3A_99] : memref<32x125x80xi32, #tpu.memory_space<hbm>> -> memref<1x1x80xi32, #tpu.memory_space<hbm>>
        %dma_wait3A_101 = tpu.memref_squeeze %dma_wait3A_100 : memref<1x1x80xi32, #tpu.memory_space<hbm>> -> memref<80xi32, #tpu.memory_space<hbm>>
        tpu.wait_dma2 semaphore(%arg16 : memref<!tpu.dma_semaphore, #tpu.memory_space<semaphore_mem>>) src(%dma_wait3A_101 : memref<80xi32, #tpu.memory_space<hbm>>) dst(%arg8 : memref<80xi32, #tpu.memory_space<vmem>>)
        %dma_wait3A_102 = arith.constant 0 : i32
        %dma_wait3A_103 = arith.constant 1 : i32
        %dma_wait3A_104 = arith.constant 0 : i32
        %dma_wait3A_105 = arith.constant 0 : i32
        %dma_wait3A_106 = tpu.memref_slice %arg10[%dma_wait3A_103, %dma_wait3A_104, %dma_wait3A_105] : memref<3x80x128xf32, #tpu.memory_space<vmem>> -> memref<1x80x128xf32, #tpu.memory_space<vmem>>
        %dma_wait3A_107 = tpu.memref_squeeze %dma_wait3A_106 : memref<1x80x128xf32, #tpu.memory_space<vmem>> -> memref<80x128xf32, #tpu.memory_space<vmem>>
        %dma_wait3A_108 = arith.constant 0 : i32
        %dma_wait3A_109 = tpu.memref_slice %arg6[%dma_wait3A_102, %dma_wait3A_108] : memref<125x80xi32, #tpu.memory_space<vmem>> -> memref<1x80xi32, #tpu.memory_space<vmem>>
        %dma_wait3A_110 = tpu.memref_squeeze %dma_wait3A_109 : memref<1x80xi32, #tpu.memory_space<vmem>> -> memref<80xi32, #tpu.memory_space<vmem>>
        %dma_wait3A_111 = arith.constant 0 : i32
        %dma_wait3A_112 = arith.constant 0 : i32
        %dma_wait3A_113 = tpu.memref_slice %arg2[%dma_wait3A_111, %dma_wait3A_112] : memref<10000x128xf32, #tpu.memory_space<hbm>> -> memref<10000x128xf32, #tpu.memory_space<hbm>>
        tpu.wait_indirect_dma semaphore(%arg13 : memref<!tpu.dma_semaphore, #tpu.memory_space<semaphore_mem>>) src(%dma_wait3A_113 : memref<10000x128xf32, #tpu.memory_space<hbm>>) dst(%dma_wait3A_107 : memref<80x128xf32, #tpu.memory_space<vmem>>)
        %run_scoped3A = arith.constant 1 : i32
        "tpu.region"() ({
          %run_scoped3A_118 = tpu.sem_alloc : memref<!tpu.dma_semaphore, #tpu.memory_space<semaphore_mem>>
          %dma_start3A_119 = arith.constant 0 : i32
          %dma_start3A_120 = arith.constant 0 : i32
          %dma_start3A_121 = tpu.memref_slice %arg10[%run_scoped3A, %dma_start3A_119, %dma_start3A_120] : memref<3x80x128xf32, #tpu.memory_space<vmem>> -> memref<1x80x128xf32, #tpu.memory_space<vmem>>
          %dma_start3A_122 = tpu.memref_squeeze %dma_start3A_121 : memref<1x80x128xf32, #tpu.memory_space<vmem>> -> memref<80x128xf32, #tpu.memory_space<vmem>>
          %dma_start3A_123 = arith.constant 0 : i32
          %dma_start3A_124 = arith.constant 0 : i32
          %dma_start3A_125 = tpu.memref_slice %arg11[%dma_start3A_123, %dma_start3A_124] : memref<10000x128xf32, #tpu.memory_space<vmem_shared>> -> memref<10000x128xf32, #tpu.memory_space<vmem_shared>>
          tpu.enqueue_indirect_dma source(%dma_start3A_122 : memref<80x128xf32, #tpu.memory_space<vmem>>) target(%dma_start3A_125 : memref<10000x128xf32, #tpu.memory_space<vmem_shared>>) offsets(%arg8 : memref<80xi32, #tpu.memory_space<vmem>>) semaphore(%run_scoped3A_118 : memref<!tpu.dma_semaphore, #tpu.memory_space<semaphore_mem>>) {add = true}
          %dma_wait3A_126 = arith.constant 0 : i32
          %dma_wait3A_127 = arith.constant 0 : i32
          %dma_wait3A_128 = tpu.memref_slice %arg10[%run_scoped3A, %dma_wait3A_126, %dma_wait3A_127] : memref<3x80x128xf32, #tpu.memory_space<vmem>> -> memref<1x80x128xf32, #tpu.memory_space<vmem>>
          %dma_wait3A_129 = tpu.memref_squeeze %dma_wait3A_128 : memref<1x80x128xf32, #tpu.memory_space<vmem>> -> memref<80x128xf32, #tpu.memory_space<vmem>>
          %dma_wait3A_130 = arith.constant 0 : i32
          %dma_wait3A_131 = arith.constant 0 : i32
          %dma_wait3A_132 = tpu.memref_slice %arg11[%dma_wait3A_130, %dma_wait3A_131] : memref<10000x128xf32, #tpu.memory_space<vmem_shared>> -> memref<10000x128xf32, #tpu.memory_space<vmem_shared>>
          tpu.wait_indirect_dma semaphore(%run_scoped3A_118 : memref<!tpu.dma_semaphore, #tpu.memory_space<semaphore_mem>>) src(%dma_wait3A_129 : memref<80x128xf32, #tpu.memory_space<vmem>>) dst(%dma_wait3A_132 : memref<10000x128xf32, #tpu.memory_space<vmem_shared>>)
          tpu.yield
        }) : () -> ()
        %lt3A = arith.constant 122 : i32
        %lt3A_114 = arith.cmpi slt, %scan3A_78, %lt3A : i32
        %convert_element_type3A_115 = arith.extui %lt3A_114 : i1 to i32
        %cond3A_116 = arith.constant 0 : i32
        %cond3A_117 = arith.cmpi ne, %convert_element_type3A_115, %cond3A_116 : i32
        scf.if %cond3A_117 {
          %add3A_118 = arith.constant 3 : i32
          %add3A_119 = arith.addi %scan3A_78, %add3A_118 : i32
          %dma_start3A_120 = arith.constant 0 : i32
          %dma_start3A_121 = tpu.memref_slice %arg4[%add3A, %add3A_119, %dma_start3A_120] : memref<32x125x80xi32, #tpu.memory_space<hbm>> -> memref<1x1x80xi32, #tpu.memory_space<hbm>>
          %dma_start3A_122 = tpu.memref_squeeze %dma_start3A_121 : memref<1x1x80xi32, #tpu.memory_space<hbm>> -> memref<80xi32, #tpu.memory_space<hbm>>
          %dma_start3A_123 = arith.constant 0 : i32
          %dma_start3A_124 = tpu.memref_slice %arg4[%add3A, %add3A_119, %dma_start3A_123] : memref<32x125x80xi32, #tpu.memory_space<hbm>> -> memref<1x1x80xi32, #tpu.memory_space<hbm>>
          %dma_start3A_125 = tpu.memref_squeeze %dma_start3A_124 : memref<1x1x80xi32, #tpu.memory_space<hbm>> -> memref<80xi32, #tpu.memory_space<hbm>>
          tpu.enqueue_dma source(%dma_start3A_125 : memref<80xi32, #tpu.memory_space<hbm>>) target(%arg8 : memref<80xi32, #tpu.memory_space<vmem>>) target_semaphore(%arg16 : memref<!tpu.dma_semaphore, #tpu.memory_space<semaphore_mem>>)
          %dma_start3A_126 = arith.constant 1 : i32
          %dma_start3A_127 = arith.constant 0 : i32
          %dma_start3A_128 = arith.constant 0 : i32
          %dma_start3A_129 = tpu.memref_slice %arg10[%dma_start3A_126, %dma_start3A_127, %dma_start3A_128] : memref<3x80x128xf32, #tpu.memory_space<vmem>> -> memref<1x80x128xf32, #tpu.memory_space<vmem>>
          %dma_start3A_130 = tpu.memref_squeeze %dma_start3A_129 : memref<1x80x128xf32, #tpu.memory_space<vmem>> -> memref<80x128xf32, #tpu.memory_space<vmem>>
          %dma_start3A_131 = arith.constant 0 : i32
          %dma_start3A_132 = tpu.memref_slice %arg6[%add3A_119, %dma_start3A_131] : memref<125x80xi32, #tpu.memory_space<vmem>> -> memref<1x80xi32, #tpu.memory_space<vmem>>
          %dma_start3A_133 = tpu.memref_squeeze %dma_start3A_132 : memref<1x80xi32, #tpu.memory_space<vmem>> -> memref<80xi32, #tpu.memory_space<vmem>>
          %dma_start3A_134 = arith.constant 0 : i32
          %dma_start3A_135 = arith.constant 0 : i32
          %dma_start3A_136 = tpu.memref_slice %arg2[%dma_start3A_134, %dma_start3A_135] : memref<10000x128xf32, #tpu.memory_space<hbm>> -> memref<10000x128xf32, #tpu.memory_space<hbm>>
          tpu.enqueue_indirect_dma source(%dma_start3A_136 : memref<10000x128xf32, #tpu.memory_space<hbm>>) target(%dma_start3A_130 : memref<80x128xf32, #tpu.memory_space<vmem>>) offsets(%dma_start3A_133 : memref<80xi32, #tpu.memory_space<vmem>>) semaphore(%arg13 : memref<!tpu.dma_semaphore, #tpu.memory_space<semaphore_mem>>)
        } else {
        }
      } else {
      }
      %eq3A_90 = arith.constant 2 : i32
      %eq3A_91 = arith.cmpi eq, %rem3A_79, %eq3A_90 : i32
      %convert_element_type3A_92 = arith.extui %eq3A_91 : i1 to i32
      %cond3A_93 = arith.constant 0 : i32
      %cond3A_94 = arith.cmpi ne, %convert_element_type3A_92, %cond3A_93 : i32
      scf.if %cond3A_94 {
        %dma_wait3A = arith.constant 0 : i32
        %dma_wait3A_95 = arith.constant 0 : i32
        %dma_wait3A_96 = arith.constant 0 : i32
        %dma_wait3A_97 = tpu.memref_slice %arg4[%dma_wait3A, %dma_wait3A_95, %dma_wait3A_96] : memref<32x125x80xi32, #tpu.memory_space<hbm>> -> memref<1x1x80xi32, #tpu.memory_space<hbm>>
        %dma_wait3A_98 = tpu.memref_squeeze %dma_wait3A_97 : memref<1x1x80xi32, #tpu.memory_space<hbm>> -> memref<80xi32, #tpu.memory_space<hbm>>
        %dma_wait3A_99 = arith.constant 0 : i32
        %dma_wait3A_100 = tpu.memref_slice %arg4[%dma_wait3A, %dma_wait3A_95, %dma_wait3A_99] : memref<32x125x80xi32, #tpu.memory_space<hbm>> -> memref<1x1x80xi32, #tpu.memory_space<hbm>>
        %dma_wait3A_101 = tpu.memref_squeeze %dma_wait3A_100 : memref<1x1x80xi32, #tpu.memory_space<hbm>> -> memref<80xi32, #tpu.memory_space<hbm>>
        tpu.wait_dma2 semaphore(%arg17 : memref<!tpu.dma_semaphore, #tpu.memory_space<semaphore_mem>>) src(%dma_wait3A_101 : memref<80xi32, #tpu.memory_space<hbm>>) dst(%arg9 : memref<80xi32, #tpu.memory_space<vmem>>)
        %dma_wait3A_102 = arith.constant 0 : i32
        %dma_wait3A_103 = arith.constant 2 : i32
        %dma_wait3A_104 = arith.constant 0 : i32
        %dma_wait3A_105 = arith.constant 0 : i32
        %dma_wait3A_106 = tpu.memref_slice %arg10[%dma_wait3A_103, %dma_wait3A_104, %dma_wait3A_105] : memref<3x80x128xf32, #tpu.memory_space<vmem>> -> memref<1x80x128xf32, #tpu.memory_space<vmem>>
        %dma_wait3A_107 = tpu.memref_squeeze %dma_wait3A_106 : memref<1x80x128xf32, #tpu.memory_space<vmem>> -> memref<80x128xf32, #tpu.memory_space<vmem>>
        %dma_wait3A_108 = arith.constant 0 : i32
        %dma_wait3A_109 = tpu.memref_slice %arg6[%dma_wait3A_102, %dma_wait3A_108] : memref<125x80xi32, #tpu.memory_space<vmem>> -> memref<1x80xi32, #tpu.memory_space<vmem>>
        %dma_wait3A_110 = tpu.memref_squeeze %dma_wait3A_109 : memref<1x80xi32, #tpu.memory_space<vmem>> -> memref<80xi32, #tpu.memory_space<vmem>>
        %dma_wait3A_111 = arith.constant 0 : i32
        %dma_wait3A_112 = arith.constant 0 : i32
        %dma_wait3A_113 = tpu.memref_slice %arg2[%dma_wait3A_111, %dma_wait3A_112] : memref<10000x128xf32, #tpu.memory_space<hbm>> -> memref<10000x128xf32, #tpu.memory_space<hbm>>
        tpu.wait_indirect_dma semaphore(%arg14 : memref<!tpu.dma_semaphore, #tpu.memory_space<semaphore_mem>>) src(%dma_wait3A_113 : memref<10000x128xf32, #tpu.memory_space<hbm>>) dst(%dma_wait3A_107 : memref<80x128xf32, #tpu.memory_space<vmem>>)
        %run_scoped3A = arith.constant 2 : i32
        "tpu.region"() ({
          %run_scoped3A_118 = tpu.sem_alloc : memref<!tpu.dma_semaphore, #tpu.memory_space<semaphore_mem>>
          %dma_start3A_119 = arith.constant 0 : i32
          %dma_start3A_120 = arith.constant 0 : i32
          %dma_start3A_121 = tpu.memref_slice %arg10[%run_scoped3A, %dma_start3A_119, %dma_start3A_120] : memref<3x80x128xf32, #tpu.memory_space<vmem>> -> memref<1x80x128xf32, #tpu.memory_space<vmem>>
          %dma_start3A_122 = tpu.memref_squeeze %dma_start3A_121 : memref<1x80x128xf32, #tpu.memory_space<vmem>> -> memref<80x128xf32, #tpu.memory_space<vmem>>
          %dma_start3A_123 = arith.constant 0 : i32
          %dma_start3A_124 = arith.constant 0 : i32
          %dma_start3A_125 = tpu.memref_slice %arg11[%dma_start3A_123, %dma_start3A_124] : memref<10000x128xf32, #tpu.memory_space<vmem_shared>> -> memref<10000x128xf32, #tpu.memory_space<vmem_shared>>
          tpu.enqueue_indirect_dma source(%dma_start3A_122 : memref<80x128xf32, #tpu.memory_space<vmem>>) target(%dma_start3A_125 : memref<10000x128xf32, #tpu.memory_space<vmem_shared>>) offsets(%arg9 : memref<80xi32, #tpu.memory_space<vmem>>) semaphore(%run_scoped3A_118 : memref<!tpu.dma_semaphore, #tpu.memory_space<semaphore_mem>>) {add = true}
          %dma_wait3A_126 = arith.constant 0 : i32
          %dma_wait3A_127 = arith.constant 0 : i32
          %dma_wait3A_128 = tpu.memref_slice %arg10[%run_scoped3A, %dma_wait3A_126, %dma_wait3A_127] : memref<3x80x128xf32, #tpu.memory_space<vmem>> -> memref<1x80x128xf32, #tpu.memory_space<vmem>>
          %dma_wait3A_129 = tpu.memref_squeeze %dma_wait3A_128 : memref<1x80x128xf32, #tpu.memory_space<vmem>> -> memref<80x128xf32, #tpu.memory_space<vmem>>
          %dma_wait3A_130 = arith.constant 0 : i32
          %dma_wait3A_131 = arith.constant 0 : i32
          %dma_wait3A_132 = tpu.memref_slice %arg11[%dma_wait3A_130, %dma_wait3A_131] : memref<10000x128xf32, #tpu.memory_space<vmem_shared>> -> memref<10000x128xf32, #tpu.memory_space<vmem_shared>>
          tpu.wait_indirect_dma semaphore(%run_scoped3A_118 : memref<!tpu.dma_semaphore, #tpu.memory_space<semaphore_mem>>) src(%dma_wait3A_129 : memref<80x128xf32, #tpu.memory_space<vmem>>) dst(%dma_wait3A_132 : memref<10000x128xf32, #tpu.memory_space<vmem_shared>>)
          tpu.yield
        }) : () -> ()
        %lt3A = arith.constant 122 : i32
        %lt3A_114 = arith.cmpi slt, %scan3A_78, %lt3A : i32
        %convert_element_type3A_115 = arith.extui %lt3A_114 : i1 to i32
        %cond3A_116 = arith.constant 0 : i32
        %cond3A_117 = arith.cmpi ne, %convert_element_type3A_115, %cond3A_116 : i32
        scf.if %cond3A_117 {
          %add3A_118 = arith.constant 3 : i32
          %add3A_119 = arith.addi %scan3A_78, %add3A_118 : i32
          %dma_start3A_120 = arith.constant 0 : i32
          %dma_start3A_121 = tpu.memref_slice %arg4[%add3A, %add3A_119, %dma_start3A_120] : memref<32x125x80xi32, #tpu.memory_space<hbm>> -> memref<1x1x80xi32, #tpu.memory_space<hbm>>
          %dma_start3A_122 = tpu.memref_squeeze %dma_start3A_121 : memref<1x1x80xi32, #tpu.memory_space<hbm>> -> memref<80xi32, #tpu.memory_space<hbm>>
          %dma_start3A_123 = arith.constant 0 : i32
          %dma_start3A_124 = tpu.memref_slice %arg4[%add3A, %add3A_119, %dma_start3A_123] : memref<32x125x80xi32, #tpu.memory_space<hbm>> -> memref<1x1x80xi32, #tpu.memory_space<hbm>>
          %dma_start3A_125 = tpu.memref_squeeze %dma_start3A_124 : memref<1x1x80xi32, #tpu.memory_space<hbm>> -> memref<80xi32, #tpu.memory_space<hbm>>
          tpu.enqueue_dma source(%dma_start3A_125 : memref<80xi32, #tpu.memory_space<hbm>>) target(%arg9 : memref<80xi32, #tpu.memory_space<vmem>>) target_semaphore(%arg17 : memref<!tpu.dma_semaphore, #tpu.memory_space<semaphore_mem>>)
          %dma_start3A_126 = arith.constant 2 : i32
          %dma_start3A_127 = arith.constant 0 : i32
          %dma_start3A_128 = arith.constant 0 : i32
          %dma_start3A_129 = tpu.memref_slice %arg10[%dma_start3A_126, %dma_start3A_127, %dma_start3A_128] : memref<3x80x128xf32, #tpu.memory_space<vmem>> -> memref<1x80x128xf32, #tpu.memory_space<vmem>>
          %dma_start3A_130 = tpu.memref_squeeze %dma_start3A_129 : memref<1x80x128xf32, #tpu.memory_space<vmem>> -> memref<80x128xf32, #tpu.memory_space<vmem>>
          %dma_start3A_131 = arith.constant 0 : i32
          %dma_start3A_132 = tpu.memref_slice %arg6[%add3A_119, %dma_start3A_131] : memref<125x80xi32, #tpu.memory_space<vmem>> -> memref<1x80xi32, #tpu.memory_space<vmem>>
          %dma_start3A_133 = tpu.memref_squeeze %dma_start3A_132 : memref<1x80xi32, #tpu.memory_space<vmem>> -> memref<80xi32, #tpu.memory_space<vmem>>
          %dma_start3A_134 = arith.constant 0 : i32
          %dma_start3A_135 = arith.constant 0 : i32
          %dma_start3A_136 = tpu.memref_slice %arg2[%dma_start3A_134, %dma_start3A_135] : memref<10000x128xf32, #tpu.memory_space<hbm>> -> memref<10000x128xf32, #tpu.memory_space<hbm>>
          tpu.enqueue_indirect_dma source(%dma_start3A_136 : memref<10000x128xf32, #tpu.memory_space<hbm>>) target(%dma_start3A_130 : memref<80x128xf32, #tpu.memory_space<vmem>>) offsets(%dma_start3A_133 : memref<80xi32, #tpu.memory_space<vmem>>) semaphore(%arg14 : memref<!tpu.dma_semaphore, #tpu.memory_space<semaphore_mem>>)
        } else {
        }
      } else {
      }
    }
    %scan3A_67 = arith.constant 125 : i32
    %barrier3A_68 = arith.constant 0 : index
    tpu.barrier barrier_id(%barrier3A_68)
    %mul3A_69 = arith.constant 624 : i32
    %mul3A_70 = arith.muli %arg1, %mul3A_69 : i32
    %mul3A_71 = arith.constant 624 : i32
    %mul3A_72 = arith.muli %arg1, %mul3A_71 : i32
    "tpu.region"() ({
      %run_scoped3A = tpu.sem_alloc : memref<!tpu.dma_semaphore, #tpu.memory_space<semaphore_mem>>
      %dma_start3A_78 = arith.constant 0 : i32
      %dma_start3A_79 = tpu.memref_slice %arg5[%arg0, %mul3A_72, %dma_start3A_78] : memref<2x10000x128xf32, #tpu.memory_space<hbm>> -> memref<1x624x128xf32, #tpu.memory_space<hbm>>
      %dma_start3A_80 = tpu.memref_squeeze %dma_start3A_79 : memref<1x624x128xf32, #tpu.memory_space<hbm>> -> memref<624x128xf32, #tpu.memory_space<hbm>>
      %dma_start3A_81 = arith.constant 0 : i32
      %dma_start3A_82 = tpu.memref_slice %arg11[%mul3A_70, %dma_start3A_81] : memref<10000x128xf32, #tpu.memory_space<vmem_shared>> -> memref<624x128xf32, #tpu.memory_space<vmem_shared>>
      tpu.enqueue_dma source(%dma_start3A_82 : memref<624x128xf32, #tpu.memory_space<vmem_shared>>) target(%dma_start3A_80 : memref<624x128xf32, #tpu.memory_space<hbm>>) target_semaphore(%run_scoped3A : memref<!tpu.dma_semaphore, #tpu.memory_space<semaphore_mem>>)
      %dma_wait3A = arith.constant 0 : i32
      %dma_wait3A_83 = tpu.memref_slice %arg5[%arg0, %mul3A_72, %dma_wait3A] : memref<2x10000x128xf32, #tpu.memory_space<hbm>> -> memref<1x624x128xf32, #tpu.memory_space<hbm>>
      %dma_wait3A_84 = tpu.memref_squeeze %dma_wait3A_83 : memref<1x624x128xf32, #tpu.memory_space<hbm>> -> memref<624x128xf32, #tpu.memory_space<hbm>>
      %dma_wait3A_85 = arith.constant 0 : i32
      %dma_wait3A_86 = tpu.memref_slice %arg11[%mul3A_70, %dma_wait3A_85] : memref<10000x128xf32, #tpu.memory_space<vmem_shared>> -> memref<624x128xf32, #tpu.memory_space<vmem_shared>>
      tpu.wait_dma2 semaphore(%run_scoped3A : memref<!tpu.dma_semaphore, #tpu.memory_space<semaphore_mem>>) src(%dma_wait3A_86 : memref<624x128xf32, #tpu.memory_space<vmem_shared>>) dst(%dma_wait3A_84 : memref<624x128xf32, #tpu.memory_space<hbm>>)
      tpu.yield
    }) : () -> ()
    %eq3A_73 = arith.constant 15 : i32
    %eq3A_74 = arith.cmpi eq, %arg1, %eq3A_73 : i32
    %convert_element_type3A_75 = arith.extui %eq3A_74 : i1 to i32
    %cond3A_76 = arith.constant 0 : i32
    %cond3A_77 = arith.cmpi ne, %convert_element_type3A_75, %cond3A_76 : i32
    scf.if %cond3A_77 {
      "tpu.region"() ({
        %run_scoped3A = tpu.sem_alloc : memref<!tpu.dma_semaphore, #tpu.memory_space<semaphore_mem>>
        %dma_start3A_78 = arith.constant 9984 : i32
        %dma_start3A_79 = arith.constant 0 : i32
        %dma_start3A_80 = tpu.memref_slice %arg5[%arg0, %dma_start3A_78, %dma_start3A_79] : memref<2x10000x128xf32, #tpu.memory_space<hbm>> -> memref<1x16x128xf32, #tpu.memory_space<hbm>>
        %dma_start3A_81 = tpu.memref_squeeze %dma_start3A_80 : memref<1x16x128xf32, #tpu.memory_space<hbm>> -> memref<16x128xf32, #tpu.memory_space<hbm>>
        %dma_start3A_82 = arith.constant 9984 : i32
        %dma_start3A_83 = arith.constant 0 : i32
        %dma_start3A_84 = tpu.memref_slice %arg11[%dma_start3A_82, %dma_start3A_83] : memref<10000x128xf32, #tpu.memory_space<vmem_shared>> -> memref<16x128xf32, #tpu.memory_space<vmem_shared>>
        tpu.enqueue_dma source(%dma_start3A_84 : memref<16x128xf32, #tpu.memory_space<vmem_shared>>) target(%dma_start3A_81 : memref<16x128xf32, #tpu.memory_space<hbm>>) target_semaphore(%run_scoped3A : memref<!tpu.dma_semaphore, #tpu.memory_space<semaphore_mem>>)
        %dma_wait3A = arith.constant 9984 : i32
        %dma_wait3A_85 = arith.constant 0 : i32
        %dma_wait3A_86 = tpu.memref_slice %arg5[%arg0, %dma_wait3A, %dma_wait3A_85] : memref<2x10000x128xf32, #tpu.memory_space<hbm>> -> memref<1x16x128xf32, #tpu.memory_space<hbm>>
        %dma_wait3A_87 = tpu.memref_squeeze %dma_wait3A_86 : memref<1x16x128xf32, #tpu.memory_space<hbm>> -> memref<16x128xf32, #tpu.memory_space<hbm>>
        %dma_wait3A_88 = arith.constant 9984 : i32
        %dma_wait3A_89 = arith.constant 0 : i32
        %dma_wait3A_90 = tpu.memref_slice %arg11[%dma_wait3A_88, %dma_wait3A_89] : memref<10000x128xf32, #tpu.memory_space<vmem_shared>> -> memref<16x128xf32, #tpu.memory_space<vmem_shared>>
        tpu.wait_dma2 semaphore(%run_scoped3A : memref<!tpu.dma_semaphore, #tpu.memory_space<semaphore_mem>>) src(%dma_wait3A_90 : memref<16x128xf32, #tpu.memory_space<vmem_shared>>) dst(%dma_wait3A_87 : memref<16x128xf32, #tpu.memory_space<hbm>>)
        tpu.yield
      }) : () -> ()
    } else {
    }
    return
  }
}

module attributes {stable_mosaic.version = 14 : i64} {
  func.func @_tc2_body(%arg0: i32, %arg1: memref<2x1000x128xf32, #tpu.memory_space<vmem>>, %arg2: memref<1000x128xf32, #tpu.memory_space<vmem>>, %arg3: memref<1000x16xf32, #tpu.memory_space<vmem>>, %arg4: memref<1x128xf32, #tpu.memory_space<vmem>>, %arg5: memref<128x128xf32, #tpu.memory_space<vmem>>, %arg6: memref<1000x128xf32, #tpu.memory_space<vmem>>) attributes {dimension_semantics = [#tpu.dimension_semantics<arbitrary>], iteration_bounds = array<i64: 10>, scalar_prefetch = 0 : i64, scratch_operands = 0 : i64, tpu.core_type = #tpu.core_type<tc>, window_params = [{transform_indices = @transform_0, window_bounds = array<i64: 2, 1000, 128>}, {transform_indices = @transform_1, window_bounds = array<i64: 1000, 128>}, {transform_indices = @transform_2, window_bounds = array<i64: 1000, 16>}, {pipeline_mode = #tpu.pipeline_mode<synchronous>, transform_indices = @transform_3, window_bounds = array<i64: 1, 128>}, {pipeline_mode = #tpu.pipeline_mode<synchronous>, transform_indices = @transform_4, window_bounds = array<i64: 128, 128>}, {transform_indices = @transform_5, window_bounds = array<i64: 1000, 128>}]} {
    %get3A = arith.constant 0 : index
    %get3A_0 = arith.constant 0 : index
    %get3A_1 = vector.load %arg3[%get3A, %get3A_0] : memref<1000x16xf32, #tpu.memory_space<vmem>>, vector<1000x16xf32>
    %slice3A = vector.extract_strided_slice %get3A_1 {offsets = [0, 0], sizes = [1000, 1], strides = [1, 1]} : vector<1000x16xf32> to vector<1000x1xf32>
    %get3A_2 = arith.constant 0 : index
    %get3A_3 = arith.constant 0 : index
    %get3A_4 = arith.constant 0 : index
    %get3A_5 = vector.load %arg1[%get3A_2, %get3A_3, %get3A_4] : memref<2x1000x128xf32, #tpu.memory_space<vmem>>, vector<1x1000x128xf32>
    %get3A_6 = vector.shape_cast %get3A_5 : vector<1x1000x128xf32> to vector<1000x128xf32>
    %get3A_7 = arith.constant 1 : index
    %get3A_8 = arith.constant 0 : index
    %get3A_9 = arith.constant 0 : index
    %get3A_10 = vector.load %arg1[%get3A_7, %get3A_8, %get3A_9] : memref<2x1000x128xf32, #tpu.memory_space<vmem>>, vector<1x1000x128xf32>
    %get3A_11 = vector.shape_cast %get3A_10 : vector<1x1000x128xf32> to vector<1000x128xf32>
    %add3A = arith.addf %get3A_6, %get3A_11 : vector<1000x128xf32>
    %get3A_12 = arith.constant 0 : index
    %get3A_13 = arith.constant 0 : index
    %get3A_14 = vector.load %arg2[%get3A_12, %get3A_13] : memref<1000x128xf32, #tpu.memory_space<vmem>>, vector<1000x128xf32>
    %sub3A = arith.subf %add3A, %get3A_14 : vector<1000x128xf32>
    %mul3A = vector.broadcast %slice3A : vector<1000x1xf32> to vector<1000x128xf32>
    %mul3A_15 = arith.mulf %sub3A, %mul3A : vector<1000x128xf32>
    %get3A_16 = arith.constant 0 : index
    %get3A_17 = arith.constant 0 : index
    %get3A_18 = vector.load %arg4[%get3A_16, %get3A_17] : memref<1x128xf32, #tpu.memory_space<vmem>>, vector<1x128xf32>
    %add3A_19 = vector.broadcast %get3A_18 : vector<1x128xf32> to vector<1000x128xf32>
    %add3A_20 = arith.addf %mul3A_15, %add3A_19 : vector<1000x128xf32>
    %max3A = arith.constant 0.000000e+00 : f32
    %max3A_21 = vector.broadcast %max3A : f32 to vector<1000x128xf32>
    %max3A_22 = arith.maximumf %add3A_20, %max3A_21 : vector<1000x128xf32>
    %get3A_23 = arith.constant 0 : index
    %get3A_24 = arith.constant 0 : index
    %get3A_25 = vector.load %arg5[%get3A_23, %get3A_24] : memref<128x128xf32, #tpu.memory_space<vmem>>, vector<128x128xf32>
    %dot_general3A = arith.constant dense<0.000000e+00> : vector<1000x128xf32>
    %dot_general3A_26 = tpu.matmul %max3A_22, %get3A_25, %dot_general3A {dimension_numbers = #tpu.dot_dimension_numbers<[1], [0], [0], [1], [0, 0, 1, 1], [], []>, transpose_lhs_hint = false} : vector<1000x128xf32>, vector<128x128xf32>, vector<1000x128xf32> -> vector<1000x128xf32>
    %mul3A_27 = vector.broadcast %slice3A : vector<1000x1xf32> to vector<1000x128xf32>
    %mul3A_28 = arith.mulf %dot_general3A_26, %mul3A_27 : vector<1000x128xf32>
    %swap3A = arith.constant 0 : index
    %swap3A_29 = arith.constant 0 : index
    %swap3A_30 = vector.load %arg6[%swap3A, %swap3A_29] : memref<1000x128xf32, #tpu.memory_space<vmem>>, vector<1000x128xf32>
    tpu.vector_store %arg6[%swap3A, %swap3A_29], %mul3A_28 {strides = array<i32>} : memref<1000x128xf32, #tpu.memory_space<vmem>>, vector<1000x128xf32>,
    return
  }
  func.func @transform_0(%arg0: i32) -> (i32, i32, i32) {
    %c0_i32 = arith.constant 0 : i32
    %c0_i32_0 = arith.constant 0 : i32
    %c0_i32_1 = arith.constant 0 : i32
    return %c0_i32, %arg0, %c0_i32_0 : i32, i32, i32
  }
  func.func @transform_1(%arg0: i32) -> (i32, i32) {
    %c0_i32 = arith.constant 0 : i32
    %c0_i32_0 = arith.constant 0 : i32
    return %arg0, %c0_i32 : i32, i32
  }
  func.func @transform_2(%arg0: i32) -> (i32, i32) {
    %c0_i32 = arith.constant 0 : i32
    %c0_i32_0 = arith.constant 0 : i32
    return %arg0, %c0_i32 : i32, i32
  }
  func.func @transform_3(%arg0: i32) -> (i32, i32) {
    %c0_i32 = arith.constant 0 : i32
    %c0_i32_0 = arith.constant 0 : i32
    %c0_i32_1 = arith.constant 0 : i32
    return %c0_i32, %c0_i32_0 : i32, i32
  }
  func.func @transform_4(%arg0: i32) -> (i32, i32) {
    %c0_i32 = arith.constant 0 : i32
    %c0_i32_0 = arith.constant 0 : i32
    %c0_i32_1 = arith.constant 0 : i32
    return %c0_i32, %c0_i32_0 : i32, i32
  }
  func.func @transform_5(%arg0: i32) -> (i32, i32) {
    %c0_i32 = arith.constant 0 : i32
    %c0_i32_0 = arith.constant 0 : i32
    return %arg0, %c0_i32 : i32, i32
  }
}

module attributes {stable_mosaic.version = 14 : i64} {
  func.func @_tc1_body(%arg0: i32, %arg1: memref<2x1000x16xf32, #tpu.memory_space<vmem>>, %arg2: memref<1000x128xf32, #tpu.memory_space<vmem>>, %arg3: memref<128x128xf32, #tpu.memory_space<vmem>>, %arg4: memref<1000x16xf32, #tpu.memory_space<vmem>>, %arg5: memref<1000x128xf32, #tpu.memory_space<vmem>>) attributes {dimension_semantics = [#tpu.dimension_semantics<arbitrary>], iteration_bounds = array<i64: 10>, scalar_prefetch = 0 : i64, scratch_operands = 0 : i64, tpu.core_type = #tpu.core_type<tc>, window_params = [{transform_indices = @transform_0, window_bounds = array<i64: 2, 1000, 16>}, {transform_indices = @transform_1, window_bounds = array<i64: 1000, 128>}, {pipeline_mode = #tpu.pipeline_mode<synchronous>, transform_indices = @transform_2, window_bounds = array<i64: 128, 128>}, {transform_indices = @transform_3, window_bounds = array<i64: 1000, 16>}, {transform_indices = @transform_4, window_bounds = array<i64: 1000, 128>}]} {
    %get3A = arith.constant 0 : index
    %get3A_0 = arith.constant 0 : index
    %get3A_1 = arith.constant 0 : index
    %get3A_2 = vector.load %arg1[%get3A, %get3A_0, %get3A_1] : memref<2x1000x16xf32, #tpu.memory_space<vmem>>, vector<1x1000x16xf32>
    %get3A_3 = vector.shape_cast %get3A_2 : vector<1x1000x16xf32> to vector<1000x16xf32>
    %get3A_4 = arith.constant 1 : index
    %get3A_5 = arith.constant 0 : index
    %get3A_6 = arith.constant 0 : index
    %get3A_7 = vector.load %arg1[%get3A_4, %get3A_5, %get3A_6] : memref<2x1000x16xf32, #tpu.memory_space<vmem>>, vector<1x1000x16xf32>
    %get3A_8 = vector.shape_cast %get3A_7 : vector<1x1000x16xf32> to vector<1000x16xf32>
    %add3A = arith.addf %get3A_3, %get3A_8 : vector<1000x16xf32>
    %add3A_9 = arith.constant 1.000000e+00 : f32
    %add3A_10 = vector.broadcast %add3A_9 : f32 to vector<1000x16xf32>
    %add3A_11 = arith.addf %add3A, %add3A_10 : vector<1000x16xf32>
    %rsqrt3A = math.rsqrt %add3A_11 : vector<1000x16xf32>
    %swap3A = arith.constant 0 : index
    %swap3A_12 = arith.constant 0 : index
    %swap3A_13 = vector.load %arg4[%swap3A, %swap3A_12] : memref<1000x16xf32, #tpu.memory_space<vmem>>, vector<1000x16xf32>
    tpu.vector_store %arg4[%swap3A, %swap3A_12], %rsqrt3A {strides = array<i32>} : memref<1000x16xf32, #tpu.memory_space<vmem>>, vector<1000x16xf32>,
    %get3A_14 = arith.constant 0 : index
    %get3A_15 = arith.constant 0 : index
    %get3A_16 = vector.load %arg2[%get3A_14, %get3A_15] : memref<1000x128xf32, #tpu.memory_space<vmem>>, vector<1000x128xf32>
    %get3A_17 = arith.constant 0 : index
    %get3A_18 = arith.constant 0 : index
    %get3A_19 = vector.load %arg3[%get3A_17, %get3A_18] : memref<128x128xf32, #tpu.memory_space<vmem>>, vector<128x128xf32>
    %dot_general3A = arith.constant dense<0.000000e+00> : vector<1000x128xf32>
    %dot_general3A_20 = tpu.matmul %get3A_16, %get3A_19, %dot_general3A {dimension_numbers = #tpu.dot_dimension_numbers<[1], [0], [0], [1], [0, 0, 1, 1], [], []>, transpose_lhs_hint = false} : vector<1000x128xf32>, vector<128x128xf32>, vector<1000x128xf32> -> vector<1000x128xf32>
    %slice3A = vector.extract_strided_slice %rsqrt3A {offsets = [0, 0], sizes = [1000, 1], strides = [1, 1]} : vector<1000x16xf32> to vector<1000x1xf32>
    %mul3A = vector.broadcast %slice3A : vector<1000x1xf32> to vector<1000x128xf32>
    %mul3A_21 = arith.mulf %dot_general3A_20, %mul3A : vector<1000x128xf32>
    %swap3A_22 = arith.constant 0 : index
    %swap3A_23 = arith.constant 0 : index
    %swap3A_24 = vector.load %arg5[%swap3A_22, %swap3A_23] : memref<1000x128xf32, #tpu.memory_space<vmem>>, vector<1000x128xf32>
    tpu.vector_store %arg5[%swap3A_22, %swap3A_23], %mul3A_21 {strides = array<i32>} : memref<1000x128xf32, #tpu.memory_space<vmem>>, vector<1000x128xf32>,
    return
  }
  func.func @transform_0(%arg0: i32) -> (i32, i32, i32) {
    %c0_i32 = arith.constant 0 : i32
    %c0_i32_0 = arith.constant 0 : i32
    %c0_i32_1 = arith.constant 0 : i32
    return %c0_i32, %arg0, %c0_i32_0 : i32, i32, i32
  }
  func.func @transform_1(%arg0: i32) -> (i32, i32) {
    %c0_i32 = arith.constant 0 : i32
    %c0_i32_0 = arith.constant 0 : i32
    return %arg0, %c0_i32 : i32, i32
  }
  func.func @transform_2(%arg0: i32) -> (i32, i32) {
    %c0_i32 = arith.constant 0 : i32
    %c0_i32_0 = arith.constant 0 : i32
    %c0_i32_1 = arith.constant 0 : i32
    return %c0_i32, %c0_i32_0 : i32, i32
  }
  func.func @transform_3(%arg0: i32) -> (i32, i32) {
    %c0_i32 = arith.constant 0 : i32
    %c0_i32_0 = arith.constant 0 : i32
    return %arg0, %c0_i32 : i32, i32
  }
  func.func @transform_4(%arg0: i32) -> (i32, i32) {
    %c0_i32 = arith.constant 0 : i32
    %c0_i32_0 = arith.constant 0 : i32
    return %arg0, %c0_i32 : i32, i32
  }
}

module attributes {stable_mosaic.version = 14 : i64} {
  func.func @_tc3_body(%arg0: i32, %arg1: memref<2x1000x128xf32, #tpu.memory_space<vmem>>, %arg2: memref<1000x128xf32, #tpu.memory_space<vmem>>, %arg3: memref<1000x16xf32, #tpu.memory_space<vmem>>, %arg4: memref<1x128xf32, #tpu.memory_space<vmem>>, %arg5: memref<1x1x1000xi32, #tpu.memory_space<vmem>>, %arg6: memref<128x10xf32, #tpu.memory_space<vmem>>, %arg7: memref<1x10xf32, #tpu.memory_space<vmem>>, %arg8: memref<64x10xf32, #tpu.memory_space<vmem>>, %arg9: memref<64x128xf32, #tpu.memory_space<vmem>>, %arg10: memref<64x128xf32, #tpu.memory_space<vmem>>) attributes {dimension_semantics = [#tpu.dimension_semantics<arbitrary>], iteration_bounds = array<i64: 10>, scalar_prefetch = 0 : i64, scratch_operands = 2 : i64, tpu.core_type = #tpu.core_type<tc>, window_params = [{transform_indices = @transform_0, window_bounds = array<i64: 2, 1000, 128>}, {transform_indices = @transform_1, window_bounds = array<i64: 1000, 128>}, {transform_indices = @transform_2, window_bounds = array<i64: 1000, 16>}, {pipeline_mode = #tpu.pipeline_mode<synchronous>, transform_indices = @transform_3, window_bounds = array<i64: 1, 128>}, {transform_indices = @transform_4, window_bounds = array<i64: 1, 1, 1000>}, {pipeline_mode = #tpu.pipeline_mode<synchronous>, transform_indices = @transform_5, window_bounds = array<i64: 128, 10>}, {pipeline_mode = #tpu.pipeline_mode<synchronous>, transform_indices = @transform_6, window_bounds = array<i64: 1, 10>}, {pipeline_mode = #tpu.pipeline_mode<synchronous>, transform_indices = @transform_7, window_bounds = array<i64: 64, 10>}]} {
    %eq3A = arith.constant 0 : i32
    %eq3A_0 = arith.cmpi eq, %arg0, %eq3A : i32
    %convert_element_type3A = arith.extui %eq3A_0 : i1 to i32
    %cond3A = arith.constant 0 : i32
    %cond3A_1 = arith.cmpi ne, %convert_element_type3A, %cond3A : i32
    scf.if %cond3A_1 {
      %broadcast_in_dim3A_57 = arith.constant 0.000000e+00 : f32
      %broadcast_in_dim3A_58 = vector.broadcast %broadcast_in_dim3A_57 : f32 to vector<64x128xf32>
      %swap3A_59 = arith.constant 0 : index
      %swap3A_60 = arith.constant 0 : index
      %swap3A_61 = vector.load %arg9[%swap3A_59, %swap3A_60] : memref<64x128xf32, #tpu.memory_space<vmem>>, vector<64x128xf32>
      tpu.vector_store %arg9[%swap3A_59, %swap3A_60], %broadcast_in_dim3A_58 {strides = array<i32>} : memref<64x128xf32, #tpu.memory_space<vmem>>, vector<64x128xf32>,
      %broadcast_in_dim3A_62 = arith.constant 0.000000e+00 : f32
      %broadcast_in_dim3A_63 = vector.broadcast %broadcast_in_dim3A_62 : f32 to vector<64x128xf32>
      %swap3A_64 = arith.constant 0 : index
      %swap3A_65 = arith.constant 0 : index
      %swap3A_66 = vector.load %arg10[%swap3A_64, %swap3A_65] : memref<64x128xf32, #tpu.memory_space<vmem>>, vector<64x128xf32>
      tpu.vector_store %arg10[%swap3A_64, %swap3A_65], %broadcast_in_dim3A_63 {strides = array<i32>} : memref<64x128xf32, #tpu.memory_space<vmem>>, vector<64x128xf32>,
    } else {
    }
    %get3A = arith.constant 0 : index
    %get3A_2 = arith.constant 0 : index
    %get3A_3 = vector.load %arg3[%get3A, %get3A_2] : memref<1000x16xf32, #tpu.memory_space<vmem>>, vector<1000x16xf32>
    %slice3A = vector.extract_strided_slice %get3A_3 {offsets = [0, 0], sizes = [1000, 1], strides = [1, 1]} : vector<1000x16xf32> to vector<1000x1xf32>
    %get3A_4 = arith.constant 0 : index
    %get3A_5 = arith.constant 0 : index
    %get3A_6 = arith.constant 0 : index
    %get3A_7 = vector.load %arg1[%get3A_4, %get3A_5, %get3A_6] : memref<2x1000x128xf32, #tpu.memory_space<vmem>>, vector<1x1000x128xf32>
    %get3A_8 = vector.shape_cast %get3A_7 : vector<1x1000x128xf32> to vector<1000x128xf32>
    %get3A_9 = arith.constant 1 : index
    %get3A_10 = arith.constant 0 : index
    %get3A_11 = arith.constant 0 : index
    %get3A_12 = vector.load %arg1[%get3A_9, %get3A_10, %get3A_11] : memref<2x1000x128xf32, #tpu.memory_space<vmem>>, vector<1x1000x128xf32>
    %get3A_13 = vector.shape_cast %get3A_12 : vector<1x1000x128xf32> to vector<1000x128xf32>
    %add3A = arith.addf %get3A_8, %get3A_13 : vector<1000x128xf32>
    %get3A_14 = arith.constant 0 : index
    %get3A_15 = arith.constant 0 : index
    %get3A_16 = vector.load %arg2[%get3A_14, %get3A_15] : memref<1000x128xf32, #tpu.memory_space<vmem>>, vector<1000x128xf32>
    %sub3A = arith.subf %add3A, %get3A_16 : vector<1000x128xf32>
    %mul3A = vector.broadcast %slice3A : vector<1000x1xf32> to vector<1000x128xf32>
    %mul3A_17 = arith.mulf %sub3A, %mul3A : vector<1000x128xf32>
    %get3A_18 = arith.constant 0 : index
    %get3A_19 = arith.constant 0 : index
    %get3A_20 = vector.load %arg4[%get3A_18, %get3A_19] : memref<1x128xf32, #tpu.memory_space<vmem>>, vector<1x128xf32>
    %add3A_21 = vector.broadcast %get3A_20 : vector<1x128xf32> to vector<1000x128xf32>
    %add3A_22 = arith.addf %mul3A_17, %add3A_21 : vector<1000x128xf32>
    %max3A = arith.constant 0.000000e+00 : f32
    %max3A_23 = vector.broadcast %max3A : f32 to vector<1000x128xf32>
    %max3A_24 = arith.maximumf %add3A_22, %max3A_23 : vector<1000x128xf32>
    %get3A_25 = arith.constant 0 : index
    %get3A_26 = arith.constant 0 : index
    %get3A_27 = arith.constant 0 : index
    %get3A_28 = vector.load %arg5[%get3A_25, %get3A_26, %get3A_27] : memref<1x1x1000xi32, #tpu.memory_space<vmem>>, vector<1x1x1000xi32>
    %get3A_29 = vector.shape_cast %get3A_28 : vector<1x1x1000xi32> to vector<1000xi32>
    %iota3A = tpu.iota {dimensions = array<i32: 1>} : vector<1000x64xi32>
    %broadcast_in_dim3A = vector.shape_cast %get3A_29 : vector<1000xi32> to vector<1000x1xi32>
    %eq3A_30 = vector.broadcast %broadcast_in_dim3A : vector<1000x1xi32> to vector<1000x64xi32>
    %eq3A_31 = arith.cmpi eq, %eq3A_30, %iota3A : vector<1000x64xi32>
    %convert_element_type3A_32 = arith.extui %eq3A_31 : vector<1000x64xi1> to vector<1000x64xi32>
    %convert_element_type3A_33 = arith.sitofp %convert_element_type3A_32 : vector<1000x64xi32> to vector<1000x64xf32>
    %get3A_34 = arith.constant 0 : index
    %get3A_35 = arith.constant 0 : index
    %get3A_36 = vector.load %arg9[%get3A_34, %get3A_35] : memref<64x128xf32, #tpu.memory_space<vmem>>, vector<64x128xf32>
    %dot_general3A = arith.constant dense<0.000000e+00> : vector<64x128xf32>
    %dot_general3A_37 = tpu.matmul %convert_element_type3A_33, %max3A_24, %dot_general3A {dimension_numbers = #tpu.dot_dimension_numbers<[0], [0], [1], [1], [0, 1, 1, 1], [], []>, transpose_lhs_hint = false} : vector<1000x64xf32>, vector<1000x128xf32>, vector<64x128xf32> -> vector<64x128xf32>
    %add3A_38 = arith.addf %get3A_36, %dot_general3A_37 : vector<64x128xf32>
    %swap3A = arith.constant 0 : index
    %swap3A_39 = arith.constant 0 : index
    %swap3A_40 = vector.load %arg9[%swap3A, %swap3A_39] : memref<64x128xf32, #tpu.memory_space<vmem>>, vector<64x128xf32>
    tpu.vector_store %arg9[%swap3A, %swap3A_39], %add3A_38 {strides = array<i32>} : memref<64x128xf32, #tpu.memory_space<vmem>>, vector<64x128xf32>,
    %get3A_41 = arith.constant 0 : index
    %get3A_42 = arith.constant 0 : index
    %get3A_43 = vector.load %arg10[%get3A_41, %get3A_42] : memref<64x128xf32, #tpu.memory_space<vmem>>, vector<64x128xf32>
    %broadcast_in_dim3A_44 = arith.constant 1.000000e+00 : f32
    %broadcast_in_dim3A_45 = vector.broadcast %broadcast_in_dim3A_44 : f32 to vector<1000x128xf32>
    %dot_general3A_46 = arith.constant dense<0.000000e+00> : vector<64x128xf32>
    %dot_general3A_47 = tpu.matmul %convert_element_type3A_33, %broadcast_in_dim3A_45, %dot_general3A_46 {dimension_numbers = #tpu.dot_dimension_numbers<[0], [0], [1], [1], [0, 1, 1, 1], [], []>, transpose_lhs_hint = false} : vector<1000x64xf32>, vector<1000x128xf32>, vector<64x128xf32> -> vector<64x128xf32>
    %add3A_48 = arith.addf %get3A_43, %dot_general3A_47 : vector<64x128xf32>
    %swap3A_49 = arith.constant 0 : index
    %swap3A_50 = arith.constant 0 : index
    %swap3A_51 = vector.load %arg10[%swap3A_49, %swap3A_50] : memref<64x128xf32, #tpu.memory_space<vmem>>, vector<64x128xf32>
    tpu.vector_store %arg10[%swap3A_49, %swap3A_50], %add3A_48 {strides = array<i32>} : memref<64x128xf32, #tpu.memory_space<vmem>>, vector<64x128xf32>,
    %eq3A_52 = arith.constant 9 : i32
    %eq3A_53 = arith.cmpi eq, %arg0, %eq3A_52 : i32
    %convert_element_type3A_54 = arith.extui %eq3A_53 : i1 to i32
    %cond3A_55 = arith.constant 0 : i32
    %cond3A_56 = arith.cmpi ne, %convert_element_type3A_54, %cond3A_55 : i32
    scf.if %cond3A_56 {
      %get3A_57 = arith.constant 0 : index
      %get3A_58 = arith.constant 0 : index
      %get3A_59 = vector.load %arg9[%get3A_57, %get3A_58] : memref<64x128xf32, #tpu.memory_space<vmem>>, vector<64x128xf32>
      %get3A_60 = arith.constant 0 : index
      %get3A_61 = arith.constant 0 : index
      %get3A_62 = vector.load %arg10[%get3A_60, %get3A_61] : memref<64x128xf32, #tpu.memory_space<vmem>>, vector<64x128xf32>
      %max3A_63 = arith.constant 1.000000e+00 : f32
      %max3A_64 = vector.broadcast %max3A_63 : f32 to vector<64x128xf32>
      %max3A_65 = arith.maximumf %get3A_62, %max3A_64 : vector<64x128xf32>
      %div3A = arith.divf %get3A_59, %max3A_65 : vector<64x128xf32>
      %get3A_66 = arith.constant 0 : index
      %get3A_67 = arith.constant 0 : index
      %get3A_68 = vector.load %arg6[%get3A_66, %get3A_67] : memref<128x10xf32, #tpu.memory_space<vmem>>, vector<128x10xf32>
      %dot_general3A_69 = arith.constant dense<0.000000e+00> : vector<64x10xf32>
      %dot_general3A_70 = tpu.matmul %div3A, %get3A_68, %dot_general3A_69 {dimension_numbers = #tpu.dot_dimension_numbers<[1], [0], [0], [1], [0, 0, 1, 1], [], []>, transpose_lhs_hint = false} : vector<64x128xf32>, vector<128x10xf32>, vector<64x10xf32> -> vector<64x10xf32>
      %get3A_71 = arith.constant 0 : index
      %get3A_72 = arith.constant 0 : index
      %get3A_73 = vector.load %arg7[%get3A_71, %get3A_72] : memref<1x10xf32, #tpu.memory_space<vmem>>, vector<1x10xf32>
      %add3A_74 = vector.broadcast %get3A_73 : vector<1x10xf32> to vector<64x10xf32>
      %add3A_75 = arith.addf %dot_general3A_70, %add3A_74 : vector<64x10xf32>
      %reduce_max3A = arith.constant dense<0xFF800000> : vector<64xf32>
      %reduce_max3A_76 = vector.multi_reduction <maximumf>, %add3A_75, %reduce_max3A [1] : vector<64x10xf32> to vector<64xf32>
      %broadcast_in_dim3A_77 = vector.shape_cast %reduce_max3A_76 : vector<64xf32> to vector<64x1xf32>
      %sub3A_78 = vector.broadcast %broadcast_in_dim3A_77 : vector<64x1xf32> to vector<64x10xf32>
      %sub3A_79 = arith.subf %add3A_75, %sub3A_78 : vector<64x10xf32>
      %exp3A = math.exp %sub3A_79 : vector<64x10xf32>
      %reduce_sum3A = arith.constant dense<0.000000e+00> : vector<64xf32>
      %reduce_sum3A_80 = vector.multi_reduction <add>, %exp3A, %reduce_sum3A [1] : vector<64x10xf32> to vector<64xf32>
      %broadcast_in_dim3A_81 = vector.shape_cast %reduce_sum3A_80 : vector<64xf32> to vector<64x1xf32>
      %log3A = math.log %broadcast_in_dim3A_81 : vector<64x1xf32>
      %sub3A_82 = vector.broadcast %log3A : vector<64x1xf32> to vector<64x10xf32>
      %sub3A_83 = arith.subf %sub3A_79, %sub3A_82 : vector<64x10xf32>
      %swap3A_84 = arith.constant 0 : index
      %swap3A_85 = arith.constant 0 : index
      %swap3A_86 = vector.load %arg8[%swap3A_84, %swap3A_85] : memref<64x10xf32, #tpu.memory_space<vmem>>, vector<64x10xf32>
      tpu.vector_store %arg8[%swap3A_84, %swap3A_85], %sub3A_83 {strides = array<i32>} : memref<64x10xf32, #tpu.memory_space<vmem>>, vector<64x10xf32>,
    } else {
    }
    return
  }
  func.func @transform_0(%arg0: i32) -> (i32, i32, i32) {
    %c0_i32 = arith.constant 0 : i32
    %c0_i32_0 = arith.constant 0 : i32
    %c0_i32_1 = arith.constant 0 : i32
    return %c0_i32, %arg0, %c0_i32_0 : i32, i32, i32
  }
  func.func @transform_1(%arg0: i32) -> (i32, i32) {
    %c0_i32 = arith.constant 0 : i32
    %c0_i32_0 = arith.constant 0 : i32
    return %arg0, %c0_i32 : i32, i32
  }
  func.func @transform_2(%arg0: i32) -> (i32, i32) {
    %c0_i32 = arith.constant 0 : i32
    %c0_i32_0 = arith.constant 0 : i32
    return %arg0, %c0_i32 : i32, i32
  }
  func.func @transform_3(%arg0: i32) -> (i32, i32) {
    %c0_i32 = arith.constant 0 : i32
    %c0_i32_0 = arith.constant 0 : i32
    %c0_i32_1 = arith.constant 0 : i32
    return %c0_i32, %c0_i32_0 : i32, i32
  }
  func.func @transform_4(%arg0: i32) -> (i32, i32, i32) {
    %c0_i32 = arith.constant 0 : i32
    %c0_i32_0 = arith.constant 0 : i32
    %c0_i32_1 = arith.constant 0 : i32
    return %arg0, %c0_i32, %c0_i32_0 : i32, i32, i32
  }
  func.func @transform_5(%arg0: i32) -> (i32, i32) {
    %c0_i32 = arith.constant 0 : i32
    %c0_i32_0 = arith.constant 0 : i32
    %c0_i32_1 = arith.constant 0 : i32
    return %c0_i32, %c0_i32_0 : i32, i32
  }
  func.func @transform_6(%arg0: i32) -> (i32, i32) {
    %c0_i32 = arith.constant 0 : i32
    %c0_i32_0 = arith.constant 0 : i32
    %c0_i32_1 = arith.constant 0 : i32
    return %c0_i32, %c0_i32_0 : i32, i32
  }
  func.func @transform_7(%arg0: i32) -> (i32, i32) {
    %c0_i32 = arith.constant 0 : i32
    %c0_i32_0 = arith.constant 0 : i32
    %c0_i32_1 = arith.constant 0 : i32
    return %c0_i32, %c0_i32_0 : i32, i32
  }
}

</mosaic_0001>

<sc_bundles>
// kernel: kernel.11.cloned.1.call-start
scs
__scs_entry_jumppad:
0x0: {  	(pc) =	sbr.rel $0x88, $3  }
0x1: {  	(tag) =	ssettag $0x0;
	lr =	simm.s32 $0x1  }
0x2: {  	[smem:$0x3F98] =	sst lr;
	_ =	strace $0xD0000000  }
0x3: {  	_ = 	snop  }
0x4: {  	_ = 	snop  }
0x5: {  	_ = 	snop  }
0x6: {  	_ = 	snop  }
0x7: {  	_ = 	snop  }
__scs_overlays_trampoline_lowered:
0x8: {  	[smem:$0x3FA7] =	sst s0  }
0x9: {  	[smem:$0x3FA8] =	sst s1  }
0xa: {  	[smem:$0x3FA9] =	sst s2  }
0xb: {  	[smem:$0x3FAA] =	sst s3  }
0xc: {  	[smem:$0x3FAB] =	sst s4  }
0xd: {  	[smem:$0x3FAC] =	sst s5  }
0xe: {  	[smem:$0x3FAD] =	sst s6  }
0xf: {  	[smem:$0x3FAE] =	sst s7  }
0x10: {  	[smem:$0x3FAF] =	sst s8  }
0x11: {  	[smem:$0x3FB0] =	sst s9;
	s0 =	simm.s32 @!p0 $0x0  }
0x12: {  	s1 =	sld [smem:$0x3F96];
	s0 =	simm.s32 @p0 $0x1  }
0x13: {  	[smem:$0x3FB1] =	sst s0;
	s0 =	simm.s32 @!p1 $0x0  }
0x14: {  	s2 =	sld [smem:$0x3F95];
	s0 =	simm.s32 @p1 $0x1  }
0x15: {  	[smem:$0x3FB2] =	sst s0;
	s0 =	simm.s32 @!p2 $0x0  }
0x16: {  	s3 =	sld [smem:$0x3FDB];
	s0 =	simm.s32 @p2 $0x1  }
0x17: {  	s4 =	simm.s32 $0x1BF5;
	[smem:$0x3FB4] =	sst s0  }
0x18: {  	s0 =	sld [smem:$0x3F97];
	_ =	swait.ge [sflag:s4], $0x0  }
0x19: {  	s7 =	sld [smem:$0x3F98]  }
0x1a: {  	s8 =	sadd.s32 $0xFFFFE003, lr  }
0x1b: {  	s9 =	sadd.s32 $0xFFFFFEF7, lr;
	s5 =	simm.s32 $0xFFFFFFFF;
	p2 =	slt.u32 s8, $0xFFFFF086  }
0x1c: {  	p1 =	slt.u32 s9, $0xF7A;
	s5 =	simm.s32 @!p2 $0x0  }
0x1d: {  	s5 =	simm.s32 @p1 $0x1;
	p0 =	seq.s32 s7, s2  }
0x1e: {  	s7 =	smul.u32 @!p0 $0xF7A, s2;
	p2 =	seq.s32 @!p0 s5, $0x0  }
0x1f: {  	s9 =	smul.u32 $0xF7A, s1;
	s8 =	simm.s32 @!p0 $0x1BF5;
	p2 =	por !p2, p0  }
0x20: {  	[sflag:s8] =	ssyncset.s32 @!p0 $0xFFFFF086;
	s6 =	sadd.s32 @!p0 s3, s7;
	s7 =	simm.s32 @!p0 $0x108  }
0x21: {  	s3 =	sadd.s32 s3, s9;
	s6 =	sadd.s32 @!p0 $0x88, s6;
	s7 =	simm.s32 @p2 $0x1082  }
0x22: {  	[simem:s7], [sflag:s8] =	dma.local @!p0 [hbm:s6], $0xF7A  }
0x23: {  	s9 =	sor.u32 $0xD0000000, s2;
	s6 =	simm.s32 $0x108;
	_ =	swait.ge @!p0 [sflag:s8], $0x0  }
0x24: {  	s3 =	sadd.s32 $0x88, s3;
	s6 =	simm.s32 @!p1 $0x1082;
	[sflag:s4] =	ssyncset.s32 $0xFFFFF086  }
0x25: {  	[simem:s6], [sflag:s4] =	dma.local [hbm:s3], $0xF7A  }
0x26: {  	[smem:$0x3F98] =	sst s1;
	(tag) =	ssettag s2;
	_ =	strace s9  }
0x27: {  	s1 =	sld [smem:$0x3FA8]  }
0x28: {  	s2 =	sld [smem:$0x3FA9]  }
0x29: {  	s4 =	sld [smem:$0x3FAB]  }
0x2a: {  	p0 =	seq.s32 s5, $0x0;
	s5 =	sld [smem:$0x3FAC]  }
0x2b: {  	s6 =	sld [smem:$0x3FAD]  }
0x2c: {  	s7 =	sld [smem:$0x3FAE]  }
0x2d: {  	s3 =	simm.s32 $0x108;
	s8 =	sld [smem:$0x3FAF]  }
0x2e: {  	s3 =	simm.s32 @!p0 $0x1082;
	s9 =	sld [smem:$0x3FB0]  }
0x2f: {  	lr =	sadd.s32 s0, s3;
	s0 =	sld [smem:$0x3FA7]  }
0x30: {  	s3 =	sld [smem:$0x3FAA]  }
0x31: {  	[smem:$0x3FB3] =	sst s10  }
0x32: {  	s10 =	sld [smem:$0x3FB1];
	_ =	sdelay $0x3  }
0x33: {  	p0 =	seq.s32 s10, $0x1;
	s10 =	sld [smem:$0x3FB3];
	_ =	sdelay $0x3  }
0x34: {  	[smem:$0x3FB3] =	sst s10  }
0x35: {  	s10 =	sld [smem:$0x3FB2];
	_ =	sdelay $0x3  }
0x36: {  	p1 =	seq.s32 s10, $0x1;
	s10 =	sld [smem:$0x3FB3];
	_ =	sdelay $0x3  }
0x37: {  	[smem:$0x3FB3] =	sst s10  }
0x38: {  	s10 =	sld [smem:$0x3FB4]  }
0x39: {  	_ = 	snop;
	(pc) =	sbr.ind lr, $3  }
0x3a: {  	_ = 	snop  }
0x3b: {  	_ = 	snop  }
0x3c: {  	p2 =	seq.s32 s10, $0x1;
	s10 =	sld [smem:$0x3FB3]  }
0x3d: {  	_ =	shalt  }
0x3e: {  	_ =	shalt  }
0x3f: {  	_ =	shalt  }
0x40: {  	_ =	shalt  }
0x41: {  	_ =	shalt  }
0x42: {  	_ =	shalt  }
0x43: {  	_ =	shalt  }
0x44: {  	_ =	shalt  }
0x45: {  	_ =	shalt  }
0x46: {  	_ =	shalt  }
0x47: {  	_ =	shalt  }
0x48: {  	_ =	shalt  }
0x49: {  	_ =	shalt  }
0x4a: {  	_ =	shalt  }
0x4b: {  	_ =	shalt  }
0x4c: {  	_ =	shalt  }
0x4d: {  	_ =	shalt  }
0x4e: {  	_ =	shalt  }
0x4f: {  	_ =	shalt  }
0x50: {  	_ =	shalt  }
0x51: {  	_ =	shalt  }
0x52: {  	_ =	shalt  }
0x53: {  	_ =	shalt  }
0x54: {  	_ =	shalt  }
0x55: {  	_ =	shalt  }
0x56: {  	_ =	shalt  }
0x57: {  	_ =	shalt  }
0x58: {  	_ =	shalt  }
0x59: {  	_ =	shalt  }
0x5a: {  	_ =	shalt  }
0x5b: {  	_ =	shalt  }
0x5c: {  	_ =	shalt  }
0x5d: {  	_ =	shalt  }
0x5e: {  	_ =	shalt  }
0x5f: {  	_ =	shalt  }
0x60: {  	_ =	shalt  }
0x61: {  	_ =	shalt  }
0x62: {  	_ =	shalt  }
0x63: {  	_ =	shalt  }
0x64: {  	_ =	shalt  }
0x65: {  	_ =	shalt  }
0x66: {  	_ =	shalt  }
0x67: {  	_ =	shalt  }
0x68: {  	_ =	shalt  }
0x69: {  	_ =	shalt  }
0x6a: {  	_ =	shalt  }
0x6b: {  	_ =	shalt  }
0x6c: {  	_ =	shalt  }
0x6d: {  	_ =	shalt  }
0x6e: {  	_ =	shalt  }
0x6f: {  	_ =	shalt  }
0x70: {  	_ =	shalt  }
0x71: {  	_ =	shalt  }
0x72: {  	_ =	shalt  }
0x73: {  	_ =	shalt  }
0x74: {  	_ =	shalt  }
0x75: {  	_ =	shalt  }
0x76: {  	_ =	shalt  }
0x77: {  	_ =	shalt  }
0x78: {  	_ =	shalt  }
0x79: {  	_ =	shalt  }
0x7a: {  	_ =	shalt  }
0x7b: {  	_ =	shalt  }
0x7c: {  	_ =	shalt  }
0x7d: {  	_ =	shalt  }
0x7e: {  	_ =	shalt  }
0x7f: {  	_ =	shalt  }
0x80: {  	_ =	shalt  }
0x81: {  	_ =	shalt  }
0x82: {  	_ =	shalt  }
0x83: {  	_ =	shalt  }
0x84: {  	_ =	shalt  }
0x85: {  	_ =	shalt  }
0x86: {  	_ =	shalt  }
0x87: {  	_ =	shalt  }
.Lfunc_end0:
.L_simem_size_0:
called_computation.1_lowered:
.L_overlay_start_0:
0x88: {  	s2 =	sld [smem:$0x3FD9]  }
0x89: {  	s3 =	sld [smem:$0x3FFE];
	_ =	sdelay $0x1  }
0x8a: {  	s1 =	srdreg.scid  }
0x8b: {  	s0 =	sand.u32 $0x1, s1  }
0x8c: {  	s16 =	sshll.u32 s0, $0xA;
	s2 =	sadd.s32 s3, s2  }
0x8d: {  	s2 =	sadd.s32 s2, s16  }
0x8e: {  	[smem:$0x3FBF] =	sst s2  }
0x8f: {  	_ = 	snop  }
0x90: {  	(tm) =	ssettm $0x1  }
0x91: {  	s17 =	sld [smem:$0x3FFB];
	_ =	sdelay $0x3  }
0x92: {  	_ =	strace s17  }
0x93: {  	s2 =	sld [smem:$0x3FFC];
	_ =	sdelay $0x3  }
0x94: {  	_ =	strace s2  }
0x95: {  	s2 =	sld [smem:$0x3FFD];
	_ =	sdelay $0x3  }
0x96: {  	_ =	strace s2  }
0x97: {  	_ =	strace $0x8FFFFFFF  }
0x98: {  	s18 =	sld [smem:$0x3FDB];
	_ =	sdelay $0x1  }
0x99: {  	s19 =	simm.s32 $_scs_section_size  }
0x9a: {  	s4 =	simm.s32 $_size__tile_overlayer_lowered;
	s5 =	simm.s32 $_tile_overlayer_lowered  }
0x9b: {  	s22 =	simm.s32 $0x1BFF;
	s21 =	sshll.u32 s5, $0x1;
	s2 =	sadd.s32 s19, s18  }
0x9c: {  	s6 =	simm.s32 $0x0;
	s20 =	sshll.u32 s4, $0x1;
	s4 =	sadd.s32 s21, s2  }
0x9d: {  	[timem:s6], [sflag:s22] =	dma.local [hbm:s4], s20  }
0x9e: {  	_ =	swait.ge [sflag:s22], s20  }
0x9f: {  	s3 =	ssub.s32 $0x0, s20;
	[sflag:s22] =	ssyncset.done $0x0  }
0xa0: {  	[sflag:s22] =	ssyncadd.s32 s3;
	_ =	sdelay $0x1  }
0xa1: {  	s23 =	simm.s32 $0x1B8B  }
0xa2: {  	_ =	swait.ge [sflag:s23], $0x1  }
0xa3: {  	[sflag:s23] =	ssyncset.done $0x0  }
0xa4: {  	s25 =	simm.s32 $0x1B8E;
	s24 =	sld [smem:$0x3FFE];
	[sflag:s23] =	ssyncadd.s32 $0xFFFFFFFF  }
0xa5: {  	s26 =	simm.s32 $execute0_lowered;
	[smem:$0x3FD2] =	sst s25  }
0xa6: {  	s4 =	sshll.u32 s26, $0x1;
	_ =	strace $0x80000049;
	[dreg:$0x1] =	wrdreg $0xFFFFFFFF  }
0xa7: {  	s28 =	simm.s32 $_size_execute0_lowered;
	s2 =	sadd.s32 s2, s4;
	[dreg:$0x0] =	wrdreg $0x0  }
0xa8: {  	s4 =	sshll.u32 s28, $0x1;
	[dreg:$0x2] =	wrdreg s2  }
0xa9: {  	[dreg:$0x3] =	wrdreg s4  }
0xaa: {  	[dreg:$0x4] =	wrdreg $0xC0  }
0xab: {  	_ =	task [dreg:s6], $0x5FFFF  }
0xac: {  	[dreg:$0x1] =	wrdreg $0xFFFFFFFF  }
0xad: {  	[dreg:$0x0] =	wrdreg $0x60  }
0xae: {  	[dreg:$0x2] =	wrdreg s24  }
0xaf: {  	[dreg:$0x3] =	wrdreg $0xB9800  }
0xb0: {  	[dreg:$0x4] =	wrdreg $0x9  }
0xb1: {  	_ =	task.clear_ibuf [dreg:s6], $0x5FFFF;
	_ =	strace $0x90000049  }
0xb2: {  	s29 =	simm.s32 $0x9;
	_ =	strace $0x8000004B  }
0xb3: {  	_ =	swait.ge [sflag:s29], $0x1  }
0xb4: {  	[sflag:s29] =	ssyncadd.s32 $0xFFFFFFFF  }
0xb5: {  	_ =	strace $0x9000004B  }
0xb6: {  	_ =	sfence  }
0xb7: {  	s30 =	sld [smem:$0x0];
	_ =	sdelay $0x2  }
0xb8: {  	s31 =	sshll.u32 s1, $0xD;
	s1 =	sshrl.u32 s1, $0x2  }
0xb9: {  	s3 =	sand.u32 $0x4000, s31;
	s1 =	sadd.s32 s1, s30  }
0xba: {  	s0 =	sor.u32 s3, s0;
	s1 =	sshll.u32 s1, $0x11  }
0xbb: {  	s0 =	sor.u32 s1, s0  }
0xbc: {  	s0 =	sadd.s32 $0x8F2B, s0  }
0xbd: {  	[sflag:s0] =	ssyncadd.remote.s32 $0x1  }
0xbe: {  	_ =	sfence.sel $0xFFFF  }
0xbf: {  	[dreg:$0x0] =	wrdreg $0xFFFFFFFF;
	(pc) =	sbr.abs _section_cstart, $3  }
0xc0: {  	[dreg:$0x1] =	wrdreg $0xFFFFFFFF  }
0xc1: {  	_ =	task.clear_ibuf [dreg:s6], $0x2FFFF;
	_ =	strace $0x9FFFFFFF  }
0xc2: {  	(tm) =	ssettm $0x7FFFFFFF  }
0xc3: {  	_ =	shalt  }
tec
execute0_lowered:
.L_overlay_start_1:
0x0: {  	(tag) =	ssettag $0x1  }
0x1: {  	s0 =	rddreg [dreg:$0x0]  }
0x2: {  	s2 =	rddreg [dreg:$0x1]  }
0x3: {  	s1 =	srdreg.scid;
	s13 =	stileid.u32  }
0x4: {  	s3 =	simm.s32 $0x0;
	s16 =	simm.s32 $0x7;
	s20 =	simm.s32 $0x4000  }
0x5: {  	s29 =	simm.s32 $0x9180;
	s30 =	simm.s32 $0x6;
	s31 =	simm.s32 $0x3  }
0x6: {  	s28 =	simm.s32 $0x1;
	s1 =	sand.u32 $0x1, s1;
	s5 =	sshll.u32 s13, $0xE  }
0x7: {  	[smem:$0x7FF] =	sst s3;
	s10 =	smul.u32 $0x4E000, s13;
	s6 =	sadd.s32 $0x2C00, s0  }
0x8: {  	s12 =	smul.u32 $0x13800, s13;
	s14 =	sadd.s32 $0x39E00, s0;
	s26 =	sshll.u32 s13, $0x6  }
0x9: {  	p0 =	sne.s32 s13, $0xF;
	s4 =	sshll.u32 s1, $0x12;
	_ =	strace $0x8000004A  }
0xa: {  	s9 =	ssub.s32 $0x2, s1;
	s1 =	smul.u32 $0x138800, s1;
	s17 =	sor.u32 $0x1C07, s26  }
0xb: {  	s26 =	simm.s32 $0x4100;
	s4 =	sor.u32 s5, s4;
	s5 =	sadd.s32 $0x12C00, s0  }
0xc: {  	s11 =	sshrl.u32 s9, $0x1;
	s21 =	sshrl.u32 s10, $0x2;
	s22 =	sshrl.u32 s12, $0x3  }
0xd: {  	s7 =	sshrl.u32 s4, $0x3;
	s9 =	ssub.s32 s9, s11;
	s10 =	sadd.s32 s5, s22  }
0xe: {  	s11 =	sadd.s32 $0x138000, s2;
	s23 =	sadd.s32 s12, s1;
	s1 =	sshrl.u32 s1, $0x3  }
0xf: {  	s22 =	simm.s32 $0x4180;
	s8 =	sadd.s32 s7, s0;
	[dreg:$0x4] =	wrdreg s10  }
0x10: {  	s0 =	sadd.s32 $0x39C00, s0;
	s10 =	sadd.s32 s6, s7;
	s25 =	sadd.s32 s14, s1  }
0x11: {  	s15 =	smax.u32 s9, $0x1;
	s19 =	sshrl.u32 @!p0 s11, $0x3;
	s1 =	simm.s32 $0x2  }
0x12: {  	s8 =	sadd.s32 $0x88600, s8;
	[dreg:$0x5] =	wrdreg s0;
	s7 =	sadd.s32 $0x10, s10  }
0x13: {  	s0 =	sshrl.u32 s23, $0x3;
	s24 =	sadd.s32 $0x20, s10;
	[dreg:$0x3] =	wrdreg s8  }
.Ltmp0:
0x14: {  	s23 =	simm.s32 $0x4080;
	[dreg:$0x6] =	wrdreg s7;
	(pc) =	sbr.rel .LBB2_1-.Ltmp0, $4  }
0x15: {  	s8 =	sadd.s32 s21, s2;
	[dreg:$0x7] =	wrdreg s24;
	s0 =	sadd.s32 s14, s0  }
0x16: {  	s21 =	simm.s32 $0x50;
	s24 =	simm.s32 $0x4;
	s7 =	simm.s32 $0x0  }
0x17: {  	[dreg:$0x8] =	wrdreg s0;
	s0 =	sadd.s32 $0x27000, s25;
	s18 =	sshrl.u32 s8, $0x3  }
0x18: {  	s25 =	simm.s32 $0x6980;
	[dreg:$0x9] =	wrdreg s0;
	s0 =	simm.s32 $0x5  }
.LBB2_8:
0x19: {  	[bflag:$0x0] =	sbarrier.arrive $0xFFFF  }
0x1a: {  	s8 =	rddreg [dreg:$0x8]  }
0x1b: {  	[hbm:s8], [sflag:s17] =	dma.local [spmem:s18], $0x2700  }
0x1c: {  	_ =	swait.ge [sflag:s16], $0x2700  }
0x1d: {  	s7 =	sadd.s32 $0x1, s7;
	[sflag:s16] =	ssyncset.done $0x0  }
0x1e: {  	p1 =	sne.s32 s7, s15;
	s8 =	rddreg [dreg:$0x9];
	[sflag:s16] =	ssyncadd.s32 $0xFFFFD900  }
0x1f: {  	[hbm:s8], [sflag:s17] =	dma.local @!p0 [spmem:s19], $0x100  }
.Ltmp1:
0x20: {  	_ = 	snop;
	(pc) =	sbr.rel @!p1 .LBB2_9-.Ltmp1, $4  }
0x21: {  	s8 =	simm.s32 @!p0 $0x7  }
0x22: {  	_ =	swait.ge @!p0 [sflag:s8], $0x100  }
0x23: {  	[sflag:s8] =	ssyncset.done @!p0 $0x0  }
0x24: {  	[sflag:s8] =	ssyncadd.s32 @!p0 $0xFFFFFF00  }
.LBB2_1:
0x25: {  	s8 =	rddreg [dreg:$0x3]  }
0x26: {  	[tilespmem:s3], [sflag:$0x7] =	stream.linear.gather [hbm4b:s8+s3], $0x3E80, $0x38;
	[tilespmem:$0x1F200] =	vst v63  }
0x27: {  	_ =	swait.ge [sflag:s16], $0x3E80  }
0x28: {  	[sflag:s16] =	ssyncset.done $0x0  }
0x29: {  	s9 =	rddreg [dreg:$0x4];
	[sflag:s16] =	ssyncadd.s32 $0xFFFFC180  }
0x2a: {  	[spmem:s18], [sflag:s17] =	dma.local [hbm:s9], $0x2700  }
0x2b: {  	_ =	swait.ge [sflag:s16], $0x2700  }
0x2c: {  	[sflag:s16] =	ssyncset.done $0x0  }
0x2d: {  	s8 =	rddreg [dreg:$0x5];
	[sflag:s16] =	ssyncadd.s32 $0xFFFFD900  }
0x2e: {  	[spmem:s19], [sflag:s17] =	dma.local @!p0 [hbm:s8], $0x100  }
0x2f: {  	s8 =	simm.s32 @!p0 $0x7  }
0x30: {  	_ =	swait.ge @!p0 [sflag:s8], $0x100  }
0x31: {  	[sflag:s8] =	ssyncset.done @!p0 $0x0  }
0x32: {  	[sflag:s8] =	ssyncadd.s32 @!p0 $0xFFFFFF00  }
0x33: {  	[bflag:$0x0] =	sbarrier.arrive $0xFFFF  }
0x34: {  	[tilespmem:s20], [sflag:$0x4] =	stream.linear.gather [hbm4b:s10+s3], $0x80, $0x38;
	[tilespmem:$0x1F200] =	vst v63  }
0x35: {  	_ = 	snop  }
0x36: {  	[tilespmem:s22], [sflag:$0x1] =	stream.indirect.gather [hbm4b:s5+s21], $0x80, s3, s21, $0xb8;
	[tilespmem:$0x1F200] =	vst v63  }
0x37: {  	s11 =	rddreg [dreg:$0x6]  }
0x38: {  	[tilespmem:s23], [sflag:$0x5] =	stream.linear.gather [hbm4b:s11+s3], $0x80, $0x38;
	[tilespmem:$0x1F200] =	vst v63  }
0x39: {  	s12 =	simm.s32 $0x80  }
0x3a: {  	[tilespmem:s25], [sflag:$0x2] =	stream.indirect.gather [hbm4b:s5+s21], $0x80, s12, s21, $0xb8;
	[tilespmem:$0x1F200] =	vst v63  }
.Ltmp2:
0x3b: {  	_ = 	snop;
	(pc) =	sbr.rel .LBB2_2-.Ltmp2, $4  }
0x3c: {  	s14 =	simm.s32 $0x100;
	s13 =	rddreg [dreg:$0x7]  }
0x3d: {  	[tilespmem:s26], [sflag:$0x6] =	stream.linear.gather [hbm4b:s13+s3], $0x80, $0x38;
	[tilespmem:$0x1F200] =	vst v63  }
0x3e: {  	s9 =	simm.s32 $0x180;
	s8 =	simm.s32 $0x180;
	s11 =	simm.s32 $0x0  }
0x3f: {  	[tilespmem:s29], [sflag:$0x3] =	stream.indirect.gather [hbm4b:s5+s21], $0x80, s14, s21, $0xb8;
	[tilespmem:$0x1F200] =	vst v63  }
.LBB2_6:
0x40: {  	_ =	swait.ge [sflag:s30], $0x80  }
0x41: {  	[sflag:s30] =	ssyncset.done $0x0  }
0x42: {  	[sflag:s30] =	ssyncadd.s32 $0xFFFFFF80  }
0x43: {  	p1 =	sgt.u32 s11, $0x79;
	_ =	swait.ge [sflag:s31], $0x2800  }
0x44: {  	s12 =	sand.u32 @!p1 $0x7C00, s8;
	[sflag:s31] =	ssyncset.done $0x0  }
0x45: {  	s13 =	sand.u32 @!p1 $0x380, s8;
	s12 =	sadd.s32 @!p1 s4, s12;
	[sflag:s31] =	ssyncadd.s32 $0xFFFFD800  }
0x46: {  	[spmem:s2] =	stream.indirect.scatter.add.f32 [tilespmem:s29], [sflag:$0x7], $0x80, s26, s21, $0xb8;
	[tilespmem:$0x1F200] =	vst v63  }
0x47: {  	s12 =	sor.u32 @!p1 s13, s12;
	_ =	swait.ge [sflag:s16], $0x2800  }
0x48: {  	s14 =	simm.s32 @!p1 $0x4100;
	s12 =	sshrl.u32 @!p1 s12, $0x3;
	[sflag:s16] =	ssyncset.done $0x0  }
0x49: {  	s13 =	simm.s32 @!p1 $0x0;
	s12 =	sadd.s32 @!p1 s6, s12;
	[sflag:s16] =	ssyncadd.s32 $0xFFFFD800  }
0x4a: {  	[tilespmem:s14], [sflag:$0x6] =	stream.linear.gather @!p1 [hbm4b:s12+s13], $0x80, $0x38;
	[tilespmem:$0x1F200] =	vst v63  }
0x4b: {  	s12 =	simm.s32 @!p1 $0x50;
	s13 =	simm.s32 @!p1 $0x9180  }
0x4c: {  	[tilespmem:s13], [sflag:$0x3] =	stream.indirect.gather @!p1 [hbm4b:s5+s12], $0x80, s9, s12, $0xb8;
	[tilespmem:$0x1F200] =	vst v63  }
.LBB2_7:
0x4d: {  	s11 =	sadd.s32 $0x1, s11  }
0x4e: {  	p1 =	sne.s32 s11, $0x7D  }
.Ltmp3:
0x4f: {  	_ = 	snop;
	(pc) =	sbr.rel @!p1 .LBB2_8-.Ltmp3, $2  }
0x50: {  	_ =	sdelay $0x2  }
0x51: {  	s9 =	sadd.s32 $0x80, s9;
	s8 =	sadd.s32 $0x80, s8  }
.LBB2_2:
0x52: {  	s12 =	smul.u32 $0xAB, s11;
	_ =	sdelay $0x1  }
0x53: {  	s12 =	sshrl.u32 s12, $0x9  }
0x54: {  	s12 =	sand.u32 $0x7F, s12  }
0x55: {  	s12 =	smul.u32 $0x3, s12;
	_ =	sdelay $0x1  }
0x56: {  	s12 =	ssub.s32 s11, s12  }
0x57: {  	s12 =	sand.u32 $0xFF, s12  }
0x58: {  	p1 =	seq.s32 s12, $0x2  }
.Ltmp4:
0x59: {  	_ = 	snop;
	(pc) =	sbr.rel @p1 .LBB2_6-.Ltmp4, $1  }
0x5a: {  	_ =	sdelay $0x3  }
0x5b: {  	p1 =	seq.s32 s12, $0x1  }
.Ltmp5:
0x5c: {  	_ = 	snop;
	(pc) =	sbr.rel @!p1 .LBB2_4-.Ltmp5, $1  }
0x5d: {  	_ =	sdelay $0x3  }
0x5e: {  	_ =	swait.ge [sflag:s0], $0x80  }
0x5f: {  	[sflag:s0] =	ssyncset.done $0x0  }
0x60: {  	[sflag:s0] =	ssyncadd.s32 $0xFFFFFF80  }
0x61: {  	p1 =	sgt.u32 s11, $0x79;
	_ =	swait.ge [sflag:s1], $0x2800  }
0x62: {  	s12 =	sand.u32 @!p1 $0x7C00, s8;
	[sflag:s1] =	ssyncset.done $0x0  }
0x63: {  	s13 =	sand.u32 @!p1 $0x380, s8;
	s12 =	sadd.s32 @!p1 s4, s12;
	[sflag:s1] =	ssyncadd.s32 $0xFFFFD800  }
0x64: {  	[spmem:s2] =	stream.indirect.scatter.add.f32 [tilespmem:s25], [sflag:$0x7], $0x80, s23, s21, $0xb8;
	[tilespmem:$0x1F200] =	vst v63  }
0x65: {  	s14 =	simm.s32 @!p1 $0x4080;
	s12 =	sor.u32 @!p1 s13, s12;
	_ =	swait.ge [sflag:s16], $0x2800  }
.Ltmp6:
0x66: {  	s12 =	sshrl.u32 @!p1 s12, $0x3;
	[sflag:s16] =	ssyncset.done $0x0;
	(pc) =	sbr.rel .LBB2_7-.Ltmp6, $4  }
0x67: {  	s13 =	simm.s32 @!p1 $0x0;
	s12 =	sadd.s32 @!p1 s6, s12;
	[sflag:s16] =	ssyncadd.s32 $0xFFFFD800  }
0x68: {  	[tilespmem:s14], [sflag:$0x5] =	stream.linear.gather @!p1 [hbm4b:s12+s13], $0x80, $0x38;
	[tilespmem:$0x1F200] =	vst v63  }
0x69: {  	s12 =	simm.s32 @!p1 $0x50;
	s13 =	simm.s32 @!p1 $0x6980  }
0x6a: {  	[tilespmem:s13], [sflag:$0x2] =	stream.indirect.gather @!p1 [hbm4b:s5+s12], $0x80, s9, s12, $0xb8;
	[tilespmem:$0x1F200] =	vst v63  }
.LBB2_4:
0x6b: {  	_ =	swait.ge [sflag:s24], $0x80  }
0x6c: {  	[sflag:s24] =	ssyncset.done $0x0  }
0x6d: {  	[sflag:s24] =	ssyncadd.s32 $0xFFFFFF80  }
0x6e: {  	p1 =	sgt.u32 s11, $0x79;
	_ =	swait.ge [sflag:s28], $0x2800  }
0x6f: {  	s12 =	sand.u32 @!p1 $0x7C00, s8;
	[sflag:s28] =	ssyncset.done $0x0  }
0x70: {  	s13 =	sand.u32 @!p1 $0x380, s8;
	s12 =	sadd.s32 @!p1 s4, s12;
	[sflag:s28] =	ssyncadd.s32 $0xFFFFD800  }
0x71: {  	[spmem:s2] =	stream.indirect.scatter.add.f32 [tilespmem:s22], [sflag:$0x7], $0x80, s20, s21, $0xb8;
	[tilespmem:$0x1F200] =	vst v63  }
0x72: {  	s14 =	simm.s32 @!p1 $0x4000;
	s12 =	sor.u32 @!p1 s13, s12;
	_ =	swait.ge [sflag:s16], $0x2800  }
.Ltmp7:
0x73: {  	s12 =	sshrl.u32 @!p1 s12, $0x3;
	[sflag:s16] =	ssyncset.done $0x0;
	(pc) =	sbr.rel .LBB2_7-.Ltmp7, $4  }
0x74: {  	s13 =	simm.s32 @!p1 $0x0;
	s12 =	sadd.s32 @!p1 s6, s12;
	[sflag:s16] =	ssyncadd.s32 $0xFFFFD800  }
0x75: {  	[tilespmem:s14], [sflag:$0x4] =	stream.linear.gather @!p1 [hbm4b:s12+s13], $0x80, $0x38;
	[tilespmem:$0x1F200] =	vst v63  }
0x76: {  	s12 =	simm.s32 @!p1 $0x50;
	s13 =	simm.s32 @!p1 $0x4180  }
0x77: {  	[tilespmem:s13], [sflag:$0x1] =	stream.indirect.gather @!p1 [hbm4b:s5+s12], $0x80, s9, s12, $0xb8;
	[tilespmem:$0x1F200] =	vst v63  }
.LBB2_9:
0x78: {  	_ =	sfence.sel $0x180000  }
0x79: {  	[bflag:$0x0] =	sbarrier.arrive $0xFFFF  }
0x7a: {  	_ =	strace $0x9000004A  }
0x7b: {  	s0 =	stileid.u32;
	[bflag:$0x2] =	sbarrier.arrive $0xFFFF  }
0x7c: {  	p0 =	sne.s32 s0, $0x0;
	s0 =	rddreg [dreg:$0x2]  }
0x7d: {  	s0 =	sadd.s32 @!p0 $0x100000, s0  }
0x7e: {  	[sflag:s0] =	ssyncadd.tile.s32 @!p0 $0x1;
	_ =	shalt  }
.Lfunc_end2:
_tile_overlayer_lowered:
.L_overlay_start_2:
0x7f: {  	(tag) =	ssettag $0x2  }
0x80: {  	s0 =	rddreg [dreg:$0x0];
	s2 =	stileid.u32  }
0x81: {  	s1 =	rddreg [dreg:$0x1];
	p0 =	sne.s32 s2, $0x0  }
0x82: {  	s3 =	rddreg [dreg:$0x2];
	[bflag:$0x3] =	sbarrier.arrive $0xFFFF;
	s2 =	simm.s32 @!p0 $0x1C07  }
0x83: {  	[timem:s3], [sflag:s2] =	dma.local @!p0 [hbm:s0], s1  }
0x84: {  	s0 =	simm.s32 @!p0 $0x7  }
0x85: {  	_ =	swait.ge @!p0 [sflag:s0], s1  }
0x86: {  	s1 =	ssub.s32 @!p0 $0x0, s1;
	[sflag:s0] =	ssyncset.done @!p0 $0x0  }
0x87: {  	[sflag:s0] =	ssyncadd.s32 @!p0 s1  }
0x88: {  	[bflag:$0x3] =	sbarrier.arrive $0xFFFF  }
0x89: {  	_ =	shalt  }

// kernel: kernel.14.cloned.1.call-start
scs
__scs_entry_jumppad:
0x0: {  	(pc) =	sbr.rel $0x88, $3  }
0x1: {  	(tag) =	ssettag $0x0;
	lr =	simm.s32 $0x1  }
0x2: {  	[smem:$0x3F98] =	sst lr;
	_ =	strace $0xD0000000  }
0x3: {  	_ = 	snop  }
0x4: {  	_ = 	snop  }
0x5: {  	_ = 	snop  }
0x6: {  	_ = 	snop  }
0x7: {  	_ = 	snop  }
__scs_overlays_trampoline_lowered:
0x8: {  	[smem:$0x3FA7] =	sst s0  }
0x9: {  	[smem:$0x3FA8] =	sst s1  }
0xa: {  	[smem:$0x3FA9] =	sst s2  }
0xb: {  	[smem:$0x3FAA] =	sst s3  }
0xc: {  	[smem:$0x3FAB] =	sst s4  }
0xd: {  	[smem:$0x3FAC] =	sst s5  }
0xe: {  	[smem:$0x3FAD] =	sst s6  }
0xf: {  	[smem:$0x3FAE] =	sst s7  }
0x10: {  	[smem:$0x3FAF] =	sst s8  }
0x11: {  	[smem:$0x3FB0] =	sst s9;
	s0 =	simm.s32 @!p0 $0x0  }
0x12: {  	s1 =	sld [smem:$0x3F96];
	s0 =	simm.s32 @p0 $0x1  }
0x13: {  	[smem:$0x3FB1] =	sst s0;
	s0 =	simm.s32 @!p1 $0x0  }
0x14: {  	s2 =	sld [smem:$0x3F95];
	s0 =	simm.s32 @p1 $0x1  }
0x15: {  	[smem:$0x3FB2] =	sst s0;
	s0 =	simm.s32 @!p2 $0x0  }
0x16: {  	s3 =	sld [smem:$0x3FDB];
	s0 =	simm.s32 @p2 $0x1  }
0x17: {  	s4 =	simm.s32 $0x1BF5;
	[smem:$0x3FB4] =	sst s0  }
0x18: {  	s0 =	sld [smem:$0x3F97];
	_ =	swait.ge [sflag:s4], $0x0  }
0x19: {  	s7 =	sld [smem:$0x3F98]  }
0x1a: {  	s8 =	sadd.s32 $0xFFFFE003, lr  }
0x1b: {  	s9 =	sadd.s32 $0xFFFFFEF7, lr;
	s5 =	simm.s32 $0xFFFFFFFF;
	p2 =	slt.u32 s8, $0xFFFFF086  }
0x1c: {  	p1 =	slt.u32 s9, $0xF7A;
	s5 =	simm.s32 @!p2 $0x0  }
0x1d: {  	s5 =	simm.s32 @p1 $0x1;
	p0 =	seq.s32 s7, s2  }
0x1e: {  	s7 =	smul.u32 @!p0 $0xF7A, s2;
	p2 =	seq.s32 @!p0 s5, $0x0  }
0x1f: {  	s9 =	smul.u32 $0xF7A, s1;
	s8 =	simm.s32 @!p0 $0x1BF5;
	p2 =	por !p2, p0  }
0x20: {  	[sflag:s8] =	ssyncset.s32 @!p0 $0xFFFFF086;
	s6 =	sadd.s32 @!p0 s3, s7;
	s7 =	simm.s32 @!p0 $0x108  }
0x21: {  	s3 =	sadd.s32 s3, s9;
	s6 =	sadd.s32 @!p0 $0x88, s6;
	s7 =	simm.s32 @p2 $0x1082  }
0x22: {  	[simem:s7], [sflag:s8] =	dma.local @!p0 [hbm:s6], $0xF7A  }
0x23: {  	s9 =	sor.u32 $0xD0000000, s2;
	s6 =	simm.s32 $0x108;
	_ =	swait.ge @!p0 [sflag:s8], $0x0  }
0x24: {  	s3 =	sadd.s32 $0x88, s3;
	s6 =	simm.s32 @!p1 $0x1082;
	[sflag:s4] =	ssyncset.s32 $0xFFFFF086  }
0x25: {  	[simem:s6], [sflag:s4] =	dma.local [hbm:s3], $0xF7A  }
0x26: {  	[smem:$0x3F98] =	sst s1;
	(tag) =	ssettag s2;
	_ =	strace s9  }
0x27: {  	s1 =	sld [smem:$0x3FA8]  }
0x28: {  	s2 =	sld [smem:$0x3FA9]  }
0x29: {  	s4 =	sld [smem:$0x3FAB]  }
0x2a: {  	p0 =	seq.s32 s5, $0x0;
	s5 =	sld [smem:$0x3FAC]  }
0x2b: {  	s6 =	sld [smem:$0x3FAD]  }
0x2c: {  	s7 =	sld [smem:$0x3FAE]  }
0x2d: {  	s3 =	simm.s32 $0x108;
	s8 =	sld [smem:$0x3FAF]  }
0x2e: {  	s3 =	simm.s32 @!p0 $0x1082;
	s9 =	sld [smem:$0x3FB0]  }
0x2f: {  	lr =	sadd.s32 s0, s3;
	s0 =	sld [smem:$0x3FA7]  }
0x30: {  	s3 =	sld [smem:$0x3FAA]  }
0x31: {  	[smem:$0x3FB3] =	sst s10  }
0x32: {  	s10 =	sld [smem:$0x3FB1];
	_ =	sdelay $0x3  }
0x33: {  	p0 =	seq.s32 s10, $0x1;
	s10 =	sld [smem:$0x3FB3];
	_ =	sdelay $0x3  }
0x34: {  	[smem:$0x3FB3] =	sst s10  }
0x35: {  	s10 =	sld [smem:$0x3FB2];
	_ =	sdelay $0x3  }
0x36: {  	p1 =	seq.s32 s10, $0x1;
	s10 =	sld [smem:$0x3FB3];
	_ =	sdelay $0x3  }
0x37: {  	[smem:$0x3FB3] =	sst s10  }
0x38: {  	s10 =	sld [smem:$0x3FB4]  }
0x39: {  	_ = 	snop;
	(pc) =	sbr.ind lr, $3  }
0x3a: {  	_ = 	snop  }
0x3b: {  	_ = 	snop  }
0x3c: {  	p2 =	seq.s32 s10, $0x1;
	s10 =	sld [smem:$0x3FB3]  }
0x3d: {  	_ =	shalt  }
0x3e: {  	_ =	shalt  }
0x3f: {  	_ =	shalt  }
0x40: {  	_ =	shalt  }
0x41: {  	_ =	shalt  }
0x42: {  	_ =	shalt  }
0x43: {  	_ =	shalt  }
0x44: {  	_ =	shalt  }
0x45: {  	_ =	shalt  }
0x46: {  	_ =	shalt  }
0x47: {  	_ =	shalt  }
0x48: {  	_ =	shalt  }
0x49: {  	_ =	shalt  }
0x4a: {  	_ =	shalt  }
0x4b: {  	_ =	shalt  }
0x4c: {  	_ =	shalt  }
0x4d: {  	_ =	shalt  }
0x4e: {  	_ =	shalt  }
0x4f: {  	_ =	shalt  }
0x50: {  	_ =	shalt  }
0x51: {  	_ =	shalt  }
0x52: {  	_ =	shalt  }
0x53: {  	_ =	shalt  }
0x54: {  	_ =	shalt  }
0x55: {  	_ =	shalt  }
0x56: {  	_ =	shalt  }
0x57: {  	_ =	shalt  }
0x58: {  	_ =	shalt  }
0x59: {  	_ =	shalt  }
0x5a: {  	_ =	shalt  }
0x5b: {  	_ =	shalt  }
0x5c: {  	_ =	shalt  }
0x5d: {  	_ =	shalt  }
0x5e: {  	_ =	shalt  }
0x5f: {  	_ =	shalt  }
0x60: {  	_ =	shalt  }
0x61: {  	_ =	shalt  }
0x62: {  	_ =	shalt  }
0x63: {  	_ =	shalt  }
0x64: {  	_ =	shalt  }
0x65: {  	_ =	shalt  }
0x66: {  	_ =	shalt  }
0x67: {  	_ =	shalt  }
0x68: {  	_ =	shalt  }
0x69: {  	_ =	shalt  }
0x6a: {  	_ =	shalt  }
0x6b: {  	_ =	shalt  }
0x6c: {  	_ =	shalt  }
0x6d: {  	_ =	shalt  }
0x6e: {  	_ =	shalt  }
0x6f: {  	_ =	shalt  }
0x70: {  	_ =	shalt  }
0x71: {  	_ =	shalt  }
0x72: {  	_ =	shalt  }
0x73: {  	_ =	shalt  }
0x74: {  	_ =	shalt  }
0x75: {  	_ =	shalt  }
0x76: {  	_ =	shalt  }
0x77: {  	_ =	shalt  }
0x78: {  	_ =	shalt  }
0x79: {  	_ =	shalt  }
0x7a: {  	_ =	shalt  }
0x7b: {  	_ =	shalt  }
0x7c: {  	_ =	shalt  }
0x7d: {  	_ =	shalt  }
0x7e: {  	_ =	shalt  }
0x7f: {  	_ =	shalt  }
0x80: {  	_ =	shalt  }
0x81: {  	_ =	shalt  }
0x82: {  	_ =	shalt  }
0x83: {  	_ =	shalt  }
0x84: {  	_ =	shalt  }
0x85: {  	_ =	shalt  }
0x86: {  	_ =	shalt  }
0x87: {  	_ =	shalt  }
.Lfunc_end0:
.L_simem_size_0:
called_computation.2_lowered:
.L_overlay_start_0:
0x88: {  	s2 =	sld [smem:$0x3FD9]  }
0x89: {  	s3 =	sld [smem:$0x3FFE];
	_ =	sdelay $0x1  }
0x8a: {  	s1 =	srdreg.scid  }
0x8b: {  	s0 =	sand.u32 $0x1, s1  }
0x8c: {  	s16 =	sshll.u32 s0, $0xA;
	s2 =	sadd.s32 s3, s2  }
0x8d: {  	s2 =	sadd.s32 s2, s16  }
0x8e: {  	[smem:$0x3FBF] =	sst s2  }
0x8f: {  	_ = 	snop  }
0x90: {  	(tm) =	ssettm $0x1  }
0x91: {  	s17 =	sld [smem:$0x3FFB];
	_ =	sdelay $0x3  }
0x92: {  	_ =	strace s17  }
0x93: {  	s2 =	sld [smem:$0x3FFC];
	_ =	sdelay $0x3  }
0x94: {  	_ =	strace s2  }
0x95: {  	s2 =	sld [smem:$0x3FFD];
	_ =	sdelay $0x3  }
0x96: {  	_ =	strace s2  }
0x97: {  	_ =	strace $0x8FFFFFFF  }
0x98: {  	s18 =	sld [smem:$0x3FDB];
	_ =	sdelay $0x1  }
0x99: {  	s19 =	simm.s32 $_scs_section_size  }
0x9a: {  	s4 =	simm.s32 $_size__tile_overlayer_lowered;
	s5 =	simm.s32 $_tile_overlayer_lowered  }
0x9b: {  	s22 =	simm.s32 $0x1BFF;
	s21 =	sshll.u32 s5, $0x1;
	s2 =	sadd.s32 s19, s18  }
0x9c: {  	s6 =	simm.s32 $0x0;
	s20 =	sshll.u32 s4, $0x1;
	s4 =	sadd.s32 s21, s2  }
0x9d: {  	[timem:s6], [sflag:s22] =	dma.local [hbm:s4], s20  }
0x9e: {  	_ =	swait.ge [sflag:s22], s20  }
0x9f: {  	s3 =	ssub.s32 $0x0, s20;
	[sflag:s22] =	ssyncset.done $0x0  }
0xa0: {  	[sflag:s22] =	ssyncadd.s32 s3;
	_ =	sdelay $0x1  }
0xa1: {  	s23 =	simm.s32 $0x1B8B  }
0xa2: {  	_ =	swait.ge [sflag:s23], $0x1  }
0xa3: {  	[sflag:s23] =	ssyncset.done $0x0  }
0xa4: {  	s25 =	simm.s32 $0x1B8E;
	s24 =	sld [smem:$0x3FFE];
	[sflag:s23] =	ssyncadd.s32 $0xFFFFFFFF  }
0xa5: {  	s26 =	simm.s32 $execute0_lowered;
	[smem:$0x3FD2] =	sst s25  }
0xa6: {  	s4 =	sshll.u32 s26, $0x1;
	_ =	strace $0x8000004C;
	[dreg:$0x1] =	wrdreg $0xFFFFFFFF  }
0xa7: {  	s28 =	simm.s32 $_size_execute0_lowered;
	s2 =	sadd.s32 s2, s4;
	[dreg:$0x0] =	wrdreg $0x0  }
0xa8: {  	s4 =	sshll.u32 s28, $0x1;
	[dreg:$0x2] =	wrdreg s2  }
0xa9: {  	[dreg:$0x3] =	wrdreg s4  }
0xaa: {  	[dreg:$0x4] =	wrdreg $0xC0  }
0xab: {  	_ =	task [dreg:s6], $0x5FFFF  }
0xac: {  	[dreg:$0x1] =	wrdreg $0xFFFFFFFF  }
0xad: {  	[dreg:$0x0] =	wrdreg $0x60  }
0xae: {  	[dreg:$0x2] =	wrdreg s24  }
0xaf: {  	[dreg:$0x3] =	wrdreg $0xB9800  }
0xb0: {  	[dreg:$0x4] =	wrdreg $0x9  }
0xb1: {  	_ =	task.clear_ibuf [dreg:s6], $0x5FFFF;
	_ =	strace $0x9000004C  }
0xb2: {  	s29 =	simm.s32 $0x9;
	_ =	strace $0x8000004E  }
0xb3: {  	_ =	swait.ge [sflag:s29], $0x1  }
0xb4: {  	[sflag:s29] =	ssyncadd.s32 $0xFFFFFFFF  }
0xb5: {  	_ =	strace $0x9000004E  }
0xb6: {  	_ =	sfence  }
0xb7: {  	s30 =	sld [smem:$0x0];
	_ =	sdelay $0x2  }
0xb8: {  	s31 =	sshll.u32 s1, $0xD;
	s1 =	sshrl.u32 s1, $0x2  }
0xb9: {  	s3 =	sand.u32 $0x4000, s31;
	s1 =	sadd.s32 s1, s30  }
0xba: {  	s0 =	sor.u32 s3, s0;
	s1 =	sshll.u32 s1, $0x11  }
0xbb: {  	s0 =	sor.u32 s1, s0  }
0xbc: {  	s0 =	sadd.s32 $0x8F2B, s0  }
0xbd: {  	[sflag:s0] =	ssyncadd.remote.s32 $0x1  }
0xbe: {  	_ =	sfence.sel $0xFFFF  }
0xbf: {  	[dreg:$0x0] =	wrdreg $0xFFFFFFFF;
	(pc) =	sbr.abs _section_cstart, $3  }
0xc0: {  	[dreg:$0x1] =	wrdreg $0xFFFFFFFF  }
0xc1: {  	_ =	task.clear_ibuf [dreg:s6], $0x2FFFF;
	_ =	strace $0x9FFFFFFF  }
0xc2: {  	(tm) =	ssettm $0x7FFFFFFF  }
0xc3: {  	_ =	shalt  }
tec
execute0_lowered:
.L_overlay_start_1:
0x0: {  	(tag) =	ssettag $0x1  }
0x1: {  	s0 =	rddreg [dreg:$0x0]  }
0x2: {  	s2 =	rddreg [dreg:$0x1]  }
0x3: {  	s1 =	srdreg.scid;
	s13 =	stileid.u32  }
0x4: {  	s3 =	simm.s32 $0x0;
	s16 =	simm.s32 $0x7;
	s20 =	simm.s32 $0x4000  }
0x5: {  	s29 =	simm.s32 $0x9180;
	s30 =	simm.s32 $0x6;
	s31 =	simm.s32 $0x3  }
0x6: {  	s28 =	simm.s32 $0x1;
	s1 =	sand.u32 $0x1, s1;
	s5 =	sshll.u32 s13, $0xE  }
0x7: {  	[smem:$0x7FF] =	sst s3;
	s10 =	smul.u32 $0x4E000, s13;
	s6 =	sadd.s32 $0x2C00, s0  }
0x8: {  	s12 =	smul.u32 $0x13800, s13;
	s14 =	sadd.s32 $0x39E00, s0;
	s26 =	sshll.u32 s13, $0x6  }
0x9: {  	p0 =	sne.s32 s13, $0xF;
	s4 =	sshll.u32 s1, $0x12;
	_ =	strace $0x8000004D  }
0xa: {  	s9 =	ssub.s32 $0x2, s1;
	s1 =	smul.u32 $0x138800, s1;
	s17 =	sor.u32 $0x1C07, s26  }
0xb: {  	s26 =	simm.s32 $0x4100;
	s4 =	sor.u32 s5, s4;
	s5 =	sadd.s32 $0x12C00, s0  }
0xc: {  	s11 =	sshrl.u32 s9, $0x1;
	s21 =	sshrl.u32 s10, $0x2;
	s22 =	sshrl.u32 s12, $0x3  }
0xd: {  	s7 =	sshrl.u32 s4, $0x3;
	s9 =	ssub.s32 s9, s11;
	s10 =	sadd.s32 s5, s22  }
0xe: {  	s11 =	sadd.s32 $0x138000, s2;
	s23 =	sadd.s32 s12, s1;
	s1 =	sshrl.u32 s1, $0x3  }
0xf: {  	s22 =	simm.s32 $0x4180;
	s8 =	sadd.s32 s7, s0;
	[dreg:$0x4] =	wrdreg s10  }
0x10: {  	s0 =	sadd.s32 $0x39C00, s0;
	s10 =	sadd.s32 s6, s7;
	s25 =	sadd.s32 s14, s1  }
0x11: {  	s15 =	smax.u32 s9, $0x1;
	s19 =	sshrl.u32 @!p0 s11, $0x3;
	s1 =	simm.s32 $0x2  }
0x12: {  	s8 =	sadd.s32 $0x88600, s8;
	[dreg:$0x5] =	wrdreg s0;
	s7 =	sadd.s32 $0x10, s10  }
0x13: {  	s0 =	sshrl.u32 s23, $0x3;
	s24 =	sadd.s32 $0x20, s10;
	[dreg:$0x3] =	wrdreg s8  }
.Ltmp0:
0x14: {  	s23 =	simm.s32 $0x4080;
	[dreg:$0x6] =	wrdreg s7;
	(pc) =	sbr.rel .LBB2_1-.Ltmp0, $4  }
0x15: {  	s8 =	sadd.s32 s21, s2;
	[dreg:$0x7] =	wrdreg s24;
	s0 =	sadd.s32 s14, s0  }
0x16: {  	s21 =	simm.s32 $0x50;
	s24 =	simm.s32 $0x4;
	s7 =	simm.s32 $0x0  }
0x17: {  	[dreg:$0x8] =	wrdreg s0;
	s0 =	sadd.s32 $0x27000, s25;
	s18 =	sshrl.u32 s8, $0x3  }
0x18: {  	s25 =	simm.s32 $0x6980;
	[dreg:$0x9] =	wrdreg s0;
	s0 =	simm.s32 $0x5  }
.LBB2_8:
0x19: {  	[bflag:$0x0] =	sbarrier.arrive $0xFFFF  }
0x1a: {  	s8 =	rddreg [dreg:$0x8]  }
0x1b: {  	[hbm:s8], [sflag:s17] =	dma.local [spmem:s18], $0x2700  }
0x1c: {  	_ =	swait.ge [sflag:s16], $0x2700  }
0x1d: {  	s7 =	sadd.s32 $0x1, s7;
	[sflag:s16] =	ssyncset.done $0x0  }
0x1e: {  	p1 =	sne.s32 s7, s15;
	s8 =	rddreg [dreg:$0x9];
	[sflag:s16] =	ssyncadd.s32 $0xFFFFD900  }
0x1f: {  	[hbm:s8], [sflag:s17] =	dma.local @!p0 [spmem:s19], $0x100  }
.Ltmp1:
0x20: {  	_ = 	snop;
	(pc) =	sbr.rel @!p1 .LBB2_9-.Ltmp1, $4  }
0x21: {  	s8 =	simm.s32 @!p0 $0x7  }
0x22: {  	_ =	swait.ge @!p0 [sflag:s8], $0x100  }
0x23: {  	[sflag:s8] =	ssyncset.done @!p0 $0x0  }
0x24: {  	[sflag:s8] =	ssyncadd.s32 @!p0 $0xFFFFFF00  }
.LBB2_1:
0x25: {  	s8 =	rddreg [dreg:$0x3]  }
0x26: {  	[tilespmem:s3], [sflag:$0x7] =	stream.linear.gather [hbm4b:s8+s3], $0x3E80, $0x38;
	[tilespmem:$0x1F200] =	vst v63  }
0x27: {  	_ =	swait.ge [sflag:s16], $0x3E80  }
0x28: {  	[sflag:s16] =	ssyncset.done $0x0  }
0x29: {  	s9 =	rddreg [dreg:$0x4];
	[sflag:s16] =	ssyncadd.s32 $0xFFFFC180  }
0x2a: {  	[spmem:s18], [sflag:s17] =	dma.local [hbm:s9], $0x2700  }
0x2b: {  	_ =	swait.ge [sflag:s16], $0x2700  }
0x2c: {  	[sflag:s16] =	ssyncset.done $0x0  }
0x2d: {  	s8 =	rddreg [dreg:$0x5];
	[sflag:s16] =	ssyncadd.s32 $0xFFFFD900  }
0x2e: {  	[spmem:s19], [sflag:s17] =	dma.local @!p0 [hbm:s8], $0x100  }
0x2f: {  	s8 =	simm.s32 @!p0 $0x7  }
0x30: {  	_ =	swait.ge @!p0 [sflag:s8], $0x100  }
0x31: {  	[sflag:s8] =	ssyncset.done @!p0 $0x0  }
0x32: {  	[sflag:s8] =	ssyncadd.s32 @!p0 $0xFFFFFF00  }
0x33: {  	[bflag:$0x0] =	sbarrier.arrive $0xFFFF  }
0x34: {  	[tilespmem:s20], [sflag:$0x4] =	stream.linear.gather [hbm4b:s10+s3], $0x80, $0x38;
	[tilespmem:$0x1F200] =	vst v63  }
0x35: {  	_ = 	snop  }
0x36: {  	[tilespmem:s22], [sflag:$0x1] =	stream.indirect.gather [hbm4b:s5+s21], $0x80, s3, s21, $0xb8;
	[tilespmem:$0x1F200] =	vst v63  }
0x37: {  	s11 =	rddreg [dreg:$0x6]  }
0x38: {  	[tilespmem:s23], [sflag:$0x5] =	stream.linear.gather [hbm4b:s11+s3], $0x80, $0x38;
	[tilespmem:$0x1F200] =	vst v63  }
0x39: {  	s12 =	simm.s32 $0x80  }
0x3a: {  	[tilespmem:s25], [sflag:$0x2] =	stream.indirect.gather [hbm4b:s5+s21], $0x80, s12, s21, $0xb8;
	[tilespmem:$0x1F200] =	vst v63  }
.Ltmp2:
0x3b: {  	_ = 	snop;
	(pc) =	sbr.rel .LBB2_2-.Ltmp2, $4  }
0x3c: {  	s14 =	simm.s32 $0x100;
	s13 =	rddreg [dreg:$0x7]  }
0x3d: {  	[tilespmem:s26], [sflag:$0x6] =	stream.linear.gather [hbm4b:s13+s3], $0x80, $0x38;
	[tilespmem:$0x1F200] =	vst v63  }
0x3e: {  	s9 =	simm.s32 $0x180;
	s8 =	simm.s32 $0x180;
	s11 =	simm.s32 $0x0  }
0x3f: {  	[tilespmem:s29], [sflag:$0x3] =	stream.indirect.gather [hbm4b:s5+s21], $0x80, s14, s21, $0xb8;
	[tilespmem:$0x1F200] =	vst v63  }
.LBB2_6:
0x40: {  	_ =	swait.ge [sflag:s30], $0x80  }
0x41: {  	[sflag:s30] =	ssyncset.done $0x0  }
0x42: {  	[sflag:s30] =	ssyncadd.s32 $0xFFFFFF80  }
0x43: {  	p1 =	sgt.u32 s11, $0x79;
	_ =	swait.ge [sflag:s31], $0x2800  }
0x44: {  	s12 =	sand.u32 @!p1 $0x7C00, s8;
	[sflag:s31] =	ssyncset.done $0x0  }
0x45: {  	s13 =	sand.u32 @!p1 $0x380, s8;
	s12 =	sadd.s32 @!p1 s4, s12;
	[sflag:s31] =	ssyncadd.s32 $0xFFFFD800  }
0x46: {  	[spmem:s2] =	stream.indirect.scatter.add.f32 [tilespmem:s29], [sflag:$0x7], $0x80, s26, s21, $0xb8;
	[tilespmem:$0x1F200] =	vst v63  }
0x47: {  	s12 =	sor.u32 @!p1 s13, s12;
	_ =	swait.ge [sflag:s16], $0x2800  }
0x48: {  	s14 =	simm.s32 @!p1 $0x4100;
	s12 =	sshrl.u32 @!p1 s12, $0x3;
	[sflag:s16] =	ssyncset.done $0x0  }
0x49: {  	s13 =	simm.s32 @!p1 $0x0;
	s12 =	sadd.s32 @!p1 s6, s12;
	[sflag:s16] =	ssyncadd.s32 $0xFFFFD800  }
0x4a: {  	[tilespmem:s14], [sflag:$0x6] =	stream.linear.gather @!p1 [hbm4b:s12+s13], $0x80, $0x38;
	[tilespmem:$0x1F200] =	vst v63  }
0x4b: {  	s12 =	simm.s32 @!p1 $0x50;
	s13 =	simm.s32 @!p1 $0x9180  }
0x4c: {  	[tilespmem:s13], [sflag:$0x3] =	stream.indirect.gather @!p1 [hbm4b:s5+s12], $0x80, s9, s12, $0xb8;
	[tilespmem:$0x1F200] =	vst v63  }
.LBB2_7:
0x4d: {  	s11 =	sadd.s32 $0x1, s11  }
0x4e: {  	p1 =	sne.s32 s11, $0x7D  }
.Ltmp3:
0x4f: {  	_ = 	snop;
	(pc) =	sbr.rel @!p1 .LBB2_8-.Ltmp3, $2  }
0x50: {  	_ =	sdelay $0x2  }
0x51: {  	s9 =	sadd.s32 $0x80, s9;
	s8 =	sadd.s32 $0x80, s8  }
.LBB2_2:
0x52: {  	s12 =	smul.u32 $0xAB, s11;
	_ =	sdelay $0x1  }
0x53: {  	s12 =	sshrl.u32 s12, $0x9  }
0x54: {  	s12 =	sand.u32 $0x7F, s12  }
0x55: {  	s12 =	smul.u32 $0x3, s12;
	_ =	sdelay $0x1  }
0x56: {  	s12 =	ssub.s32 s11, s12  }
0x57: {  	s12 =	sand.u32 $0xFF, s12  }
0x58: {  	p1 =	seq.s32 s12, $0x2  }
.Ltmp4:
0x59: {  	_ = 	snop;
	(pc) =	sbr.rel @p1 .LBB2_6-.Ltmp4, $1  }
0x5a: {  	_ =	sdelay $0x3  }
0x5b: {  	p1 =	seq.s32 s12, $0x1  }
.Ltmp5:
0x5c: {  	_ = 	snop;
	(pc) =	sbr.rel @!p1 .LBB2_4-.Ltmp5, $1  }
0x5d: {  	_ =	sdelay $0x3  }
0x5e: {  	_ =	swait.ge [sflag:s0], $0x80  }
0x5f: {  	[sflag:s0] =	ssyncset.done $0x0  }
0x60: {  	[sflag:s0] =	ssyncadd.s32 $0xFFFFFF80  }
0x61: {  	p1 =	sgt.u32 s11, $0x79;
	_ =	swait.ge [sflag:s1], $0x2800  }
0x62: {  	s12 =	sand.u32 @!p1 $0x7C00, s8;
	[sflag:s1] =	ssyncset.done $0x0  }
0x63: {  	s13 =	sand.u32 @!p1 $0x380, s8;
	s12 =	sadd.s32 @!p1 s4, s12;
	[sflag:s1] =	ssyncadd.s32 $0xFFFFD800  }
0x64: {  	[spmem:s2] =	stream.indirect.scatter.add.f32 [tilespmem:s25], [sflag:$0x7], $0x80, s23, s21, $0xb8;
	[tilespmem:$0x1F200] =	vst v63  }
0x65: {  	s14 =	simm.s32 @!p1 $0x4080;
	s12 =	sor.u32 @!p1 s13, s12;
	_ =	swait.ge [sflag:s16], $0x2800  }
.Ltmp6:
0x66: {  	s12 =	sshrl.u32 @!p1 s12, $0x3;
	[sflag:s16] =	ssyncset.done $0x0;
	(pc) =	sbr.rel .LBB2_7-.Ltmp6, $4  }
0x67: {  	s13 =	simm.s32 @!p1 $0x0;
	s12 =	sadd.s32 @!p1 s6, s12;
	[sflag:s16] =	ssyncadd.s32 $0xFFFFD800  }
0x68: {  	[tilespmem:s14], [sflag:$0x5] =	stream.linear.gather @!p1 [hbm4b:s12+s13], $0x80, $0x38;
	[tilespmem:$0x1F200] =	vst v63  }
0x69: {  	s12 =	simm.s32 @!p1 $0x50;
	s13 =	simm.s32 @!p1 $0x6980  }
0x6a: {  	[tilespmem:s13], [sflag:$0x2] =	stream.indirect.gather @!p1 [hbm4b:s5+s12], $0x80, s9, s12, $0xb8;
	[tilespmem:$0x1F200] =	vst v63  }
.LBB2_4:
0x6b: {  	_ =	swait.ge [sflag:s24], $0x80  }
0x6c: {  	[sflag:s24] =	ssyncset.done $0x0  }
0x6d: {  	[sflag:s24] =	ssyncadd.s32 $0xFFFFFF80  }
0x6e: {  	p1 =	sgt.u32 s11, $0x79;
	_ =	swait.ge [sflag:s28], $0x2800  }
0x6f: {  	s12 =	sand.u32 @!p1 $0x7C00, s8;
	[sflag:s28] =	ssyncset.done $0x0  }
0x70: {  	s13 =	sand.u32 @!p1 $0x380, s8;
	s12 =	sadd.s32 @!p1 s4, s12;
	[sflag:s28] =	ssyncadd.s32 $0xFFFFD800  }
0x71: {  	[spmem:s2] =	stream.indirect.scatter.add.f32 [tilespmem:s22], [sflag:$0x7], $0x80, s20, s21, $0xb8;
	[tilespmem:$0x1F200] =	vst v63  }
0x72: {  	s14 =	simm.s32 @!p1 $0x4000;
	s12 =	sor.u32 @!p1 s13, s12;
	_ =	swait.ge [sflag:s16], $0x2800  }
.Ltmp7:
0x73: {  	s12 =	sshrl.u32 @!p1 s12, $0x3;
	[sflag:s16] =	ssyncset.done $0x0;
	(pc) =	sbr.rel .LBB2_7-.Ltmp7, $4  }
0x74: {  	s13 =	simm.s32 @!p1 $0x0;
	s12 =	sadd.s32 @!p1 s6, s12;
	[sflag:s16] =	ssyncadd.s32 $0xFFFFD800  }
0x75: {  	[tilespmem:s14], [sflag:$0x4] =	stream.linear.gather @!p1 [hbm4b:s12+s13], $0x80, $0x38;
	[tilespmem:$0x1F200] =	vst v63  }
0x76: {  	s12 =	simm.s32 @!p1 $0x50;
	s13 =	simm.s32 @!p1 $0x4180  }
0x77: {  	[tilespmem:s13], [sflag:$0x1] =	stream.indirect.gather @!p1 [hbm4b:s5+s12], $0x80, s9, s12, $0xb8;
	[tilespmem:$0x1F200] =	vst v63  }
.LBB2_9:
0x78: {  	_ =	sfence.sel $0x180000  }
0x79: {  	[bflag:$0x0] =	sbarrier.arrive $0xFFFF  }
0x7a: {  	_ =	strace $0x9000004D  }
0x7b: {  	s0 =	stileid.u32;
	[bflag:$0x2] =	sbarrier.arrive $0xFFFF  }
0x7c: {  	p0 =	sne.s32 s0, $0x0;
	s0 =	rddreg [dreg:$0x2]  }
0x7d: {  	s0 =	sadd.s32 @!p0 $0x100000, s0  }
0x7e: {  	[sflag:s0] =	ssyncadd.tile.s32 @!p0 $0x1;
	_ =	shalt  }
.Lfunc_end2:
_tile_overlayer_lowered:
.L_overlay_start_2:
0x7f: {  	(tag) =	ssettag $0x2  }
0x80: {  	s0 =	rddreg [dreg:$0x0];
	s2 =	stileid.u32  }
0x81: {  	s1 =	rddreg [dreg:$0x1];
	p0 =	sne.s32 s2, $0x0  }
0x82: {  	s3 =	rddreg [dreg:$0x2];
	[bflag:$0x3] =	sbarrier.arrive $0xFFFF;
	s2 =	simm.s32 @!p0 $0x1C07  }
0x83: {  	[timem:s3], [sflag:s2] =	dma.local @!p0 [hbm:s0], s1  }
0x84: {  	s0 =	simm.s32 @!p0 $0x7  }
0x85: {  	_ =	swait.ge @!p0 [sflag:s0], s1  }
0x86: {  	s1 =	ssub.s32 @!p0 $0x0, s1;
	[sflag:s0] =	ssyncset.done @!p0 $0x0  }
0x87: {  	[sflag:s0] =	ssyncadd.s32 @!p0 s1  }
0x88: {  	[bflag:$0x3] =	sbarrier.arrive $0xFFFF  }
0x89: {  	_ =	shalt  }

// kernel: kernel.8.cloned.1.call-start
scs
__scs_entry_jumppad:
0x0: {  	(pc) =	sbr.rel $0x88, $3  }
0x1: {  	(tag) =	ssettag $0x0;
	lr =	simm.s32 $0x1  }
0x2: {  	[smem:$0x3F98] =	sst lr;
	_ =	strace $0xD0000000  }
0x3: {  	_ = 	snop  }
0x4: {  	_ = 	snop  }
0x5: {  	_ = 	snop  }
0x6: {  	_ = 	snop  }
0x7: {  	_ = 	snop  }
__scs_overlays_trampoline_lowered:
0x8: {  	[smem:$0x3FA7] =	sst s0  }
0x9: {  	[smem:$0x3FA8] =	sst s1  }
0xa: {  	[smem:$0x3FA9] =	sst s2  }
0xb: {  	[smem:$0x3FAA] =	sst s3  }
0xc: {  	[smem:$0x3FAB] =	sst s4  }
0xd: {  	[smem:$0x3FAC] =	sst s5  }
0xe: {  	[smem:$0x3FAD] =	sst s6  }
0xf: {  	[smem:$0x3FAE] =	sst s7  }
0x10: {  	[smem:$0x3FAF] =	sst s8  }
0x11: {  	[smem:$0x3FB0] =	sst s9;
	s0 =	simm.s32 @!p0 $0x0  }
0x12: {  	s1 =	sld [smem:$0x3F96];
	s0 =	simm.s32 @p0 $0x1  }
0x13: {  	[smem:$0x3FB1] =	sst s0;
	s0 =	simm.s32 @!p1 $0x0  }
0x14: {  	s2 =	sld [smem:$0x3F95];
	s0 =	simm.s32 @p1 $0x1  }
0x15: {  	[smem:$0x3FB2] =	sst s0;
	s0 =	simm.s32 @!p2 $0x0  }
0x16: {  	s3 =	sld [smem:$0x3FDB];
	s0 =	simm.s32 @p2 $0x1  }
0x17: {  	s4 =	simm.s32 $0x1BF5;
	[smem:$0x3FB4] =	sst s0  }
0x18: {  	s0 =	sld [smem:$0x3F97];
	_ =	swait.ge [sflag:s4], $0x0  }
0x19: {  	s7 =	sld [smem:$0x3F98]  }
0x1a: {  	s8 =	sadd.s32 $0xFFFFE003, lr  }
0x1b: {  	s9 =	sadd.s32 $0xFFFFFEF7, lr;
	s5 =	simm.s32 $0xFFFFFFFF;
	p2 =	slt.u32 s8, $0xFFFFF086  }
0x1c: {  	p1 =	slt.u32 s9, $0xF7A;
	s5 =	simm.s32 @!p2 $0x0  }
0x1d: {  	s5 =	simm.s32 @p1 $0x1;
	p0 =	seq.s32 s7, s2  }
0x1e: {  	s7 =	smul.u32 @!p0 $0xF7A, s2;
	p2 =	seq.s32 @!p0 s5, $0x0  }
0x1f: {  	s9 =	smul.u32 $0xF7A, s1;
	s8 =	simm.s32 @!p0 $0x1BF5;
	p2 =	por !p2, p0  }
0x20: {  	[sflag:s8] =	ssyncset.s32 @!p0 $0xFFFFF086;
	s6 =	sadd.s32 @!p0 s3, s7;
	s7 =	simm.s32 @!p0 $0x108  }
0x21: {  	s3 =	sadd.s32 s3, s9;
	s6 =	sadd.s32 @!p0 $0x88, s6;
	s7 =	simm.s32 @p2 $0x1082  }
0x22: {  	[simem:s7], [sflag:s8] =	dma.local @!p0 [hbm:s6], $0xF7A  }
0x23: {  	s9 =	sor.u32 $0xD0000000, s2;
	s6 =	simm.s32 $0x108;
	_ =	swait.ge @!p0 [sflag:s8], $0x0  }
0x24: {  	s3 =	sadd.s32 $0x88, s3;
	s6 =	simm.s32 @!p1 $0x1082;
	[sflag:s4] =	ssyncset.s32 $0xFFFFF086  }
0x25: {  	[simem:s6], [sflag:s4] =	dma.local [hbm:s3], $0xF7A  }
0x26: {  	[smem:$0x3F98] =	sst s1;
	(tag) =	ssettag s2;
	_ =	strace s9  }
0x27: {  	s1 =	sld [smem:$0x3FA8]  }
0x28: {  	s2 =	sld [smem:$0x3FA9]  }
0x29: {  	s4 =	sld [smem:$0x3FAB]  }
0x2a: {  	p0 =	seq.s32 s5, $0x0;
	s5 =	sld [smem:$0x3FAC]  }
0x2b: {  	s6 =	sld [smem:$0x3FAD]  }
0x2c: {  	s7 =	sld [smem:$0x3FAE]  }
0x2d: {  	s3 =	simm.s32 $0x108;
	s8 =	sld [smem:$0x3FAF]  }
0x2e: {  	s3 =	simm.s32 @!p0 $0x1082;
	s9 =	sld [smem:$0x3FB0]  }
0x2f: {  	lr =	sadd.s32 s0, s3;
	s0 =	sld [smem:$0x3FA7]  }
0x30: {  	s3 =	sld [smem:$0x3FAA]  }
0x31: {  	[smem:$0x3FB3] =	sst s10  }
0x32: {  	s10 =	sld [smem:$0x3FB1];
	_ =	sdelay $0x3  }
0x33: {  	p0 =	seq.s32 s10, $0x1;
	s10 =	sld [smem:$0x3FB3];
	_ =	sdelay $0x3  }
0x34: {  	[smem:$0x3FB3] =	sst s10  }
0x35: {  	s10 =	sld [smem:$0x3FB2];
	_ =	sdelay $0x3  }
0x36: {  	p1 =	seq.s32 s10, $0x1;
	s10 =	sld [smem:$0x3FB3];
	_ =	sdelay $0x3  }
0x37: {  	[smem:$0x3FB3] =	sst s10  }
0x38: {  	s10 =	sld [smem:$0x3FB4]  }
0x39: {  	_ = 	snop;
	(pc) =	sbr.ind lr, $3  }
0x3a: {  	_ = 	snop  }
0x3b: {  	_ = 	snop  }
0x3c: {  	p2 =	seq.s32 s10, $0x1;
	s10 =	sld [smem:$0x3FB3]  }
0x3d: {  	_ =	shalt  }
0x3e: {  	_ =	shalt  }
0x3f: {  	_ =	shalt  }
0x40: {  	_ =	shalt  }
0x41: {  	_ =	shalt  }
0x42: {  	_ =	shalt  }
0x43: {  	_ =	shalt  }
0x44: {  	_ =	shalt  }
0x45: {  	_ =	shalt  }
0x46: {  	_ =	shalt  }
0x47: {  	_ =	shalt  }
0x48: {  	_ =	shalt  }
0x49: {  	_ =	shalt  }
0x4a: {  	_ =	shalt  }
0x4b: {  	_ =	shalt  }
0x4c: {  	_ =	shalt  }
0x4d: {  	_ =	shalt  }
0x4e: {  	_ =	shalt  }
0x4f: {  	_ =	shalt  }
0x50: {  	_ =	shalt  }
0x51: {  	_ =	shalt  }
0x52: {  	_ =	shalt  }
0x53: {  	_ =	shalt  }
0x54: {  	_ =	shalt  }
0x55: {  	_ =	shalt  }
0x56: {  	_ =	shalt  }
0x57: {  	_ =	shalt  }
0x58: {  	_ =	shalt  }
0x59: {  	_ =	shalt  }
0x5a: {  	_ =	shalt  }
0x5b: {  	_ =	shalt  }
0x5c: {  	_ =	shalt  }
0x5d: {  	_ =	shalt  }
0x5e: {  	_ =	shalt  }
0x5f: {  	_ =	shalt  }
0x60: {  	_ =	shalt  }
0x61: {  	_ =	shalt  }
0x62: {  	_ =	shalt  }
0x63: {  	_ =	shalt  }
0x64: {  	_ =	shalt  }
0x65: {  	_ =	shalt  }
0x66: {  	_ =	shalt  }
0x67: {  	_ =	shalt  }
0x68: {  	_ =	shalt  }
0x69: {  	_ =	shalt  }
0x6a: {  	_ =	shalt  }
0x6b: {  	_ =	shalt  }
0x6c: {  	_ =	shalt  }
0x6d: {  	_ =	shalt  }
0x6e: {  	_ =	shalt  }
0x6f: {  	_ =	shalt  }
0x70: {  	_ =	shalt  }
0x71: {  	_ =	shalt  }
0x72: {  	_ =	shalt  }
0x73: {  	_ =	shalt  }
0x74: {  	_ =	shalt  }
0x75: {  	_ =	shalt  }
0x76: {  	_ =	shalt  }
0x77: {  	_ =	shalt  }
0x78: {  	_ =	shalt  }
0x79: {  	_ =	shalt  }
0x7a: {  	_ =	shalt  }
0x7b: {  	_ =	shalt  }
0x7c: {  	_ =	shalt  }
0x7d: {  	_ =	shalt  }
0x7e: {  	_ =	shalt  }
0x7f: {  	_ =	shalt  }
0x80: {  	_ =	shalt  }
0x81: {  	_ =	shalt  }
0x82: {  	_ =	shalt  }
0x83: {  	_ =	shalt  }
0x84: {  	_ =	shalt  }
0x85: {  	_ =	shalt  }
0x86: {  	_ =	shalt  }
0x87: {  	_ =	shalt  }
.Lfunc_end0:
.L_simem_size_0:
called_computation_lowered:
.L_overlay_start_0:
0x88: {  	s2 =	sld [smem:$0x3FD9]  }
0x89: {  	s3 =	sld [smem:$0x3FFE];
	_ =	sdelay $0x1  }
0x8a: {  	s1 =	srdreg.scid  }
0x8b: {  	s0 =	sand.u32 $0x1, s1  }
0x8c: {  	s16 =	sshll.u32 s0, $0xA;
	s2 =	sadd.s32 s3, s2  }
0x8d: {  	s2 =	sadd.s32 s2, s16  }
0x8e: {  	[smem:$0x3FBF] =	sst s2  }
0x8f: {  	_ = 	snop  }
0x90: {  	(tm) =	ssettm $0x1  }
0x91: {  	s17 =	sld [smem:$0x3FFB];
	_ =	sdelay $0x3  }
0x92: {  	_ =	strace s17  }
0x93: {  	s2 =	sld [smem:$0x3FFC];
	_ =	sdelay $0x3  }
0x94: {  	_ =	strace s2  }
0x95: {  	s2 =	sld [smem:$0x3FFD];
	_ =	sdelay $0x3  }
0x96: {  	_ =	strace s2  }
0x97: {  	_ =	strace $0x8FFFFFFF  }
0x98: {  	s18 =	sld [smem:$0x3FDB];
	_ =	sdelay $0x1  }
0x99: {  	s19 =	simm.s32 $_scs_section_size  }
0x9a: {  	s4 =	simm.s32 $_size__tile_overlayer_lowered;
	s5 =	simm.s32 $_tile_overlayer_lowered  }
0x9b: {  	s22 =	simm.s32 $0x1BFF;
	s21 =	sshll.u32 s5, $0x1;
	s2 =	sadd.s32 s19, s18  }
0x9c: {  	s6 =	simm.s32 $0x0;
	s20 =	sshll.u32 s4, $0x1;
	s4 =	sadd.s32 s21, s2  }
0x9d: {  	[timem:s6], [sflag:s22] =	dma.local [hbm:s4], s20  }
0x9e: {  	_ =	swait.ge [sflag:s22], s20  }
0x9f: {  	s3 =	ssub.s32 $0x0, s20;
	[sflag:s22] =	ssyncset.done $0x0  }
0xa0: {  	[sflag:s22] =	ssyncadd.s32 s3;
	_ =	sdelay $0x1  }
0xa1: {  	s23 =	simm.s32 $0x1B8B  }
0xa2: {  	_ =	swait.ge [sflag:s23], $0x1  }
0xa3: {  	[sflag:s23] =	ssyncset.done $0x0  }
0xa4: {  	s25 =	simm.s32 $0x1B8E;
	s24 =	sld [smem:$0x3FFE];
	[sflag:s23] =	ssyncadd.s32 $0xFFFFFFFF  }
0xa5: {  	s26 =	simm.s32 $execute0_lowered;
	[smem:$0x3FD2] =	sst s25  }
0xa6: {  	s4 =	sshll.u32 s26, $0x1;
	_ =	strace $0x80000046;
	[dreg:$0x1] =	wrdreg $0xFFFFFFFF  }
0xa7: {  	s28 =	simm.s32 $_size_execute0_lowered;
	s2 =	sadd.s32 s2, s4;
	[dreg:$0x0] =	wrdreg $0x0  }
0xa8: {  	s4 =	sshll.u32 s28, $0x1;
	[dreg:$0x2] =	wrdreg s2  }
0xa9: {  	[dreg:$0x3] =	wrdreg s4  }
0xaa: {  	[dreg:$0x4] =	wrdreg $0xC0  }
0xab: {  	_ =	task [dreg:s6], $0x5FFFF  }
0xac: {  	[dreg:$0x1] =	wrdreg $0xFFFFFFFF  }
0xad: {  	[dreg:$0x0] =	wrdreg $0x60  }
0xae: {  	[dreg:$0x2] =	wrdreg s24  }
0xaf: {  	[dreg:$0x3] =	wrdreg $0x28800  }
0xb0: {  	[dreg:$0x4] =	wrdreg $0x9  }
0xb1: {  	_ =	task.clear_ibuf [dreg:s6], $0x5FFFF;
	_ =	strace $0x90000046  }
0xb2: {  	s29 =	simm.s32 $0x9;
	_ =	strace $0x80000048  }
0xb3: {  	_ =	swait.ge [sflag:s29], $0x1  }
0xb4: {  	[sflag:s29] =	ssyncadd.s32 $0xFFFFFFFF  }
0xb5: {  	_ =	strace $0x90000048  }
0xb6: {  	_ =	sfence  }
0xb7: {  	s30 =	sld [smem:$0x0];
	_ =	sdelay $0x2  }
0xb8: {  	s31 =	sshll.u32 s1, $0xD;
	s1 =	sshrl.u32 s1, $0x2  }
0xb9: {  	s3 =	sand.u32 $0x4000, s31;
	s1 =	sadd.s32 s1, s30  }
0xba: {  	s0 =	sor.u32 s3, s0;
	s1 =	sshll.u32 s1, $0x11  }
0xbb: {  	s0 =	sor.u32 s1, s0  }
0xbc: {  	s0 =	sadd.s32 $0x8F2B, s0  }
0xbd: {  	[sflag:s0] =	ssyncadd.remote.s32 $0x1  }
0xbe: {  	_ =	sfence.sel $0xFFFF  }
0xbf: {  	[dreg:$0x0] =	wrdreg $0xFFFFFFFF;
	(pc) =	sbr.abs _section_cstart, $3  }
0xc0: {  	[dreg:$0x1] =	wrdreg $0xFFFFFFFF  }
0xc1: {  	_ =	task.clear_ibuf [dreg:s6], $0x2FFFF;
	_ =	strace $0x9FFFFFFF  }
0xc2: {  	(tm) =	ssettm $0x7FFFFFFF  }
0xc3: {  	_ =	shalt  }
tec
execute0_lowered:
.L_overlay_start_1:
0x0: {  	(tag) =	ssettag $0x1  }
0x1: {  	s7 =	rddreg [dreg:$0x0]  }
0x2: {  	s1 =	rddreg [dreg:$0x1]  }
0x3: {  	s0 =	rddreg [dreg:$0x2]  }
0x4: {  	s2 =	srdreg.scid;
	s3 =	simm.s32 $0x0;
	s16 =	simm.s32 $0x50  }
0x5: {  	s17 =	simm.s32 $0x0;
	s5 =	sand.u32 $0x1, s2;
	s2 =	stileid.u32  }
0x6: {  	[smem:$0x7FF] =	sst s3;
	s13 =	sadd.s32 $0x3A400, s7;
	s15 =	sadd.s32 $0x138000, s1  }
0x7: {  	s4 =	sshll.u32 s5, $0xF;
	s8 =	smul.u32 $0x13800, s2;
	_ =	strace $0x80000047  }
0x8: {  	s6 =	ssub.s32 $0x2, s5;
	s9 =	smul.u32 $0x4E000, s2;
	s29 =	sshll.u32 s2, $0x6  }
0x9: {  	s30 =	smul.u32 $0x138800, s5;
	s31 =	sshll.u32 s2, $0xB;
	p0 =	sne.s32 s2, $0xF  }
0xa: {  	s10 =	sadd.s32 s4, s7;
	s4 =	sadd.s32 $0x39E00, s7;
	s12 =	sshrl.u32 s6, $0x1  }
0xb: {  	s26 =	sshrl.u32 s8, $0x3;
	s12 =	ssub.s32 s6, s12;
	s28 =	sshrl.u32 s9, $0x2  }
0xc: {  	s6 =	sor.u32 $0x1C01, s29;
	s8 =	sadd.s32 s8, s30;
	s9 =	sshrl.u32 s30, $0x3  }
0xd: {  	s11 =	sadd.s32 s26, s7;
	s14 =	sadd.s32 s28, s1;
	s7 =	sadd.s32 $0x39C00, s7  }
0xe: {  	s8 =	sshrl.u32 s8, $0x3;
	s9 =	sadd.s32 s13, s9;
	s5 =	sadd.s32 $0x12C00, s11  }
0xf: {  	s8 =	sadd.s32 s13, s8;
	s9 =	sadd.s32 $0x27000, s9;
	s11 =	sadd.s32 s31, s10  }
0x10: {  	s10 =	smax.u32 s12, $0x1;
	s12 =	sshrl.u32 s14, $0x3;
	s13 =	simm.s32 $0x1  }
0x11: {  	s14 =	sshrl.u32 @!p0 s15, $0x3;
	s15 =	simm.s32 $0x80;
	s11 =	sadd.s32 $0x2C00, s11  }
.LBB2_1:
0x12: {  	[spmem:s12], [sflag:s6] =	dma.local [hbm:s5], $0x2700  }
0x13: {  	_ =	swait.ge [sflag:s13], $0x2700  }
0x14: {  	[sflag:s13] =	ssyncset.done $0x0  }
0x15: {  	s18 =	simm.s32 @!p0 $0x1;
	[sflag:s13] =	ssyncadd.s32 $0xFFFFD900  }
0x16: {  	[spmem:s14], [sflag:s6] =	dma.local @!p0 [hbm:s7], $0x100  }
0x17: {  	_ =	swait.ge @!p0 [sflag:s18], $0x100  }
0x18: {  	[sflag:s18] =	ssyncset.done @!p0 $0x0  }
0x19: {  	[sflag:s18] =	ssyncadd.s32 @!p0 $0xFFFFFF00  }
0x1a: {  	[tilespmem:s15], [sflag:$0x1] =	stream.linear.gather [hbm4b:s4+s3], $0x2800, $0x38;
	[tilespmem:$0x4F90] =	vst v63  }
0x1b: {  	_ =	swait.ge [sflag:s13], $0x2800  }
0x1c: {  	[sflag:s13] =	ssyncset.done $0x0  }
0x1d: {  	[sflag:s13] =	ssyncadd.s32 $0xFFFFD800  }
0x1e: {  	s31 =	sadd.s32 $0x0, s11;
	[bflag:$0x0] =	sbarrier.arrive $0xFFFF  }
0x1f: {  	[tilespmem:s3], [sflag:$0x1] =	stream.linear.gather [hbm4b:s31+s3], $0x80, $0x38;
	[tilespmem:$0x4F90] =	vst v63  }
0x20: {  	_ =	swait.ge [sflag:s13], $0x80  }
0x21: {  	[sflag:s13] =	ssyncset.done $0x0  }
0x22: {  	[sflag:s13] =	ssyncadd.s32 $0xFFFFFF80  }
0x23: {  	[spmem:s1] =	stream.indirect.scatter.add.f32 [tilespmem:s15], [sflag:$0x1], $0x10, s3, s16, $0xb8;
	[tilespmem:$0x4F90] =	vst v63  }
0x24: {  	_ =	swait.ge [sflag:s13], $0x500  }
0x25: {  	s19 =	simm.s32 $0x20;
	s18 =	simm.s32 $0x10;
	[sflag:s13] =	ssyncset.done $0x0  }
.LBB2_2:
0x26: {  	s20 =	sadd.s32 s18, s11  }
0x27: {  	[sflag:s13] =	ssyncadd.s32 $0xFFFFFB00;
	s18 =	smov.u32 s19;
	s21 =	sadd.s32 $0x10, s19  }
0x28: {  	[tilespmem:s3], [sflag:$0x1] =	stream.linear.gather [hbm4b:s20+s3], $0x80, $0x38;
	[tilespmem:$0x4F90] =	vst v63  }
0x29: {  	p1 =	sne.s32 s19, $0x7C0;
	_ =	swait.ge [sflag:s13], $0x80  }
.Ltmp0:
0x2a: {  	[sflag:s13] =	ssyncset.done $0x0;
	(pc) =	sbr.rel @p1 .LBB2_2-.Ltmp0, $4  }
0x2b: {  	[sflag:s13] =	ssyncadd.s32 $0xFFFFFF80  }
0x2c: {  	[spmem:s1] =	stream.indirect.scatter.add.f32 [tilespmem:s15], [sflag:$0x1], $0x10, s3, s16, $0xb8;
	[tilespmem:$0x4F90] =	vst v63  }
0x2d: {  	_ =	swait.ge [sflag:s13], $0x500  }
0x2e: {  	s19 =	smov.u32 s21;
	[sflag:s13] =	ssyncset.done $0x0  }
0x2f: {  	s18 =	sadd.s32 s18, s11;
	[sflag:s13] =	ssyncadd.s32 $0xFFFFFB00  }
0x30: {  	[tilespmem:s3], [sflag:$0x1] =	stream.linear.gather [hbm4b:s18+s3], $0x80, $0x38;
	[tilespmem:$0x4F90] =	vst v63  }
0x31: {  	_ =	swait.ge [sflag:s13], $0x80  }
0x32: {  	[sflag:s13] =	ssyncset.done $0x0  }
0x33: {  	[sflag:s13] =	ssyncadd.s32 $0xFFFFFF80  }
0x34: {  	[spmem:s1] =	stream.indirect.scatter.add.f32 [tilespmem:s15], [sflag:$0x1], $0x10, s3, s16, $0xb8;
	[tilespmem:$0x4F90] =	vst v63  }
0x35: {  	_ =	swait.ge [sflag:s13], $0x500  }
0x36: {  	[sflag:s13] =	ssyncset.done $0x0  }
0x37: {  	[sflag:s13] =	ssyncadd.s32 $0xFFFFFB00  }
0x38: {  	[bflag:$0x0] =	sbarrier.arrive $0xFFFF  }
0x39: {  	[hbm:s8], [sflag:s6] =	dma.local [spmem:s12], $0x2700  }
0x3a: {  	s17 =	sadd.s32 $0x1, s17;
	_ =	swait.ge [sflag:s13], $0x2700  }
0x3b: {  	p1 =	sne.s32 s17, s10;
	[sflag:s13] =	ssyncset.done $0x0  }
.Ltmp1:
0x3c: {  	s18 =	simm.s32 @!p0 $0x1;
	[sflag:s13] =	ssyncadd.s32 $0xFFFFD900;
	(pc) =	sbr.rel @p1 .LBB2_1-.Ltmp1, $4  }
0x3d: {  	[hbm:s9], [sflag:s6] =	dma.local @!p0 [spmem:s14], $0x100  }
0x3e: {  	_ =	swait.ge @!p0 [sflag:s18], $0x100  }
0x3f: {  	[sflag:s18] =	ssyncset.done @!p0 $0x0  }
0x40: {  	[sflag:s18] =	ssyncadd.s32 @!p0 $0xFFFFFF00  }
0x41: {  	_ =	sfence.sel $0x180000  }
0x42: {  	[bflag:$0x0] =	sbarrier.arrive $0xFFFF  }
0x43: {  	p0 =	sne.s32 s2, $0x0;
	_ =	strace $0x90000047  }
0x44: {  	s0 =	sadd.s32 @!p0 $0x100000, s0;
	[bflag:$0x2] =	sbarrier.arrive $0xFFFF  }
0x45: {  	[sflag:s0] =	ssyncadd.tile.s32 @!p0 $0x1;
	_ =	shalt  }
.Lfunc_end2:
_tile_overlayer_lowered:
.L_overlay_start_2:
0x46: {  	(tag) =	ssettag $0x2  }
0x47: {  	s0 =	rddreg [dreg:$0x0];
	s2 =	stileid.u32  }
0x48: {  	s1 =	rddreg [dreg:$0x1];
	p0 =	sne.s32 s2, $0x0  }
0x49: {  	s3 =	rddreg [dreg:$0x2];
	[bflag:$0x3] =	sbarrier.arrive $0xFFFF;
	s2 =	simm.s32 @!p0 $0x1C01  }
0x4a: {  	[timem:s3], [sflag:s2] =	dma.local @!p0 [hbm:s0], s1  }
0x4b: {  	s0 =	simm.s32 @!p0 $0x1  }
0x4c: {  	_ =	swait.ge @!p0 [sflag:s0], s1  }
0x4d: {  	s1 =	ssub.s32 @!p0 $0x0, s1;
	[sflag:s0] =	ssyncset.done @!p0 $0x0  }
0x4e: {  	[sflag:s0] =	ssyncadd.s32 @!p0 s1  }
0x4f: {  	[bflag:$0x3] =	sbarrier.arrive $0xFFFF  }
0x50: {  	_ =	shalt  }

</sc_bundles>
